<compile_context>
chip_gen: v7x
topology: tpu7x:2x2x1
jax: 0.10.2.dev20260603
libtpu: 0.0.44.dev20260713+nightly
codegen_flags: <defaults>
</compile_context>

<pallas_src>
import functools

import jax
import jax.numpy as jnp
from jax import lax
from jax.experimental import pallas as pl
from jax.experimental.pallas import tpu as pltpu
from jax.experimental.pallas import tpu_sc as plsc

_G, _T, _E = 4, 8192, 64
_NTOK = _G * _T
_Z_COEF = 0.001
_AUX_COEF = 0.01


def _sc_expert_counts(idx_raw):
    info = plsc.get_sparse_core_info()
    nc, ns, lanes = info.num_cores, info.num_subcores, info.num_lanes
    nw = nc * ns
    per_w = _NTOK // nw
    mesh = plsc.VectorSubcoreMesh(core_axis_name="c", subcore_axis_name="s")

    @functools.partial(
        pl.kernel,
        mesh=mesh,
        out_type=jax.ShapeDtypeStruct((nw, _E), jnp.float32),
        compiler_params=pltpu.CompilerParams(needs_layout_passes=False),
        scratch_types=[
            pltpu.VMEM((2 * per_w,), jnp.int32),
            pltpu.VMEM((lanes * _E,), jnp.float32),
            pltpu.VMEM((_E,), jnp.float32),
        ],
    )
    def hist_kernel(idx_hbm, out_hbm, chunk_v, h_lane, h_row):
        wid = lax.axis_index("s") * nc + lax.axis_index("c")
        pltpu.sync_copy(idx_hbm.at[pl.ds(wid * 2 * per_w, 2 * per_w)], chunk_v)

        zeros = jnp.zeros((lanes,), jnp.float32)
        for r in range(lanes * _E // lanes):
            h_lane[pl.ds(r * lanes, lanes)] = zeros

        lane_base = lax.iota(jnp.int32, lanes) * _E
        ones = jnp.ones((lanes,), jnp.float32)

        def body(i, carry):
            base = (i >> 3) * 256 + (i & 7) * lanes
            v0 = chunk_v[pl.ds(base, lanes)]
            v1 = chunk_v[pl.ds(base + 128, lanes)]
            plsc.addupdate_scatter(h_lane, [lane_base + v0], ones)
            plsc.addupdate_scatter(h_lane, [lane_base + v1], ones, mask=v1 != v0)
            return carry

        lax.fori_loop(0, per_w // lanes, body, 0)

        for c in range(_E // lanes):
            acc = h_lane[pl.ds(c * lanes, lanes)]
            for r in range(1, lanes):
                acc = acc + h_lane[pl.ds(r * _E + c * lanes, lanes)]
            h_row[pl.ds(c * lanes, lanes)] = acc

        pltpu.sync_copy(h_row, out_hbm.at[wid])

    return hist_kernel(idx_raw)


_TBL = 8192


def _tc_stats(logits_t):

    ntb = _T // _TBL

    def body(x_ref, out_ref):
        t = pl.program_id(1)

        @pl.when(t == 0)
        def _init():
            out_ref[...] = jnp.zeros((8, _E), jnp.float32)

        x = x_ref[0]
        ex = jnp.exp(x)

        su = jnp.dot(
            jnp.ones((8, _E), jnp.float32), ex,
            preferred_element_type=jnp.float32,
        )
        log_su = jnp.log(su)
        zsq = log_su * log_su
        inv_s = 1.0 / su[0:1, :]
        probs = ex * jnp.broadcast_to(inv_s, (_E, _TBL))

        col = jnp.sum(probs, axis=1)
        zv = jnp.sum(zsq[0:1, :], axis=1)
        row_id = lax.broadcasted_iota(jnp.int32, (8, _E), 0)
        col_row = jnp.broadcast_to(col[None, :], (8, _E))
        z_row = jnp.broadcast_to(jnp.broadcast_to(zv, (_E,))[None, :], (8, _E))
        out_ref[...] += jnp.where(
            row_id == 0, col_row, jnp.where(row_id == 1, z_row, 0.0))

    return pl.pallas_call(
        body,
        grid=(_G, ntb),
        in_specs=[
            pl.BlockSpec((1, _E, _TBL), lambda g, t: (g, 0, t)),
        ],
        out_specs=pl.BlockSpec((8, _E), lambda g, t: (g, 0)),
        out_shape=jax.ShapeDtypeStruct((_G * 8, _E), jnp.float32),
    )(logits_t)


def _tc_combine(counts, stats):

    def body(counts_ref, stats_ref, out_ref):
        aux_acc = jnp.zeros((1, _E), jnp.float32)
        z_acc = jnp.zeros((1, _E), jnp.float32)
        for g in range(_G):
            cnt_g = jnp.sum(
                counts_ref[8 * g:8 * g + 8, :], axis=0, keepdims=True)
            aux_acc = aux_acc + cnt_g * stats_ref[8 * g:8 * g + 1, :]
            z_acc = z_acc + stats_ref[8 * g + 1:8 * g + 2, :]
        aux_sum = jnp.sum(aux_acc, axis=1, keepdims=True)
        res = (z_acc[:, 0:1] * (_Z_COEF / (_G * _T))
               + aux_sum * (_AUX_COEF * _E / (_G * _T * _T)))
        out_ref[...] = jnp.broadcast_to(res, (1, 128))

    return pl.pallas_call(
        body,
        grid=(1,),
        in_specs=[
            pl.BlockSpec((32, _E), lambda i: (0, 0)),
            pl.BlockSpec((_G * 8, _E), lambda i: (0, 0)),
        ],
        out_specs=pl.BlockSpec((1, 128), lambda i: (0, 0)),
        out_shape=jax.ShapeDtypeStruct((1, 128), jnp.float32),
    )(counts, stats)


def kernel(router_logits, expert_indexes):
    idx_raw = (expert_indexes.astype(jnp.int32)
               .reshape(_G, _T // 128, 128, 2)
               .transpose(0, 1, 3, 2)
               .reshape(-1))
    counts = _sc_expert_counts(idx_raw)
    stats = _tc_stats(jnp.transpose(router_logits, (0, 2, 1)))
    out = _tc_combine(counts, stats)
    return out[0, 0]

# --- scband reference (transcript-rebuilt; emitter-appended) ---
"""Pipeline reference for scband-switch-router-loss-8400956031008 (READ-ONLY COPY).

The authoritative reference and input builder live on the scoring server;
editing this copy changes nothing except your own understanding.
"""

import jax, jax.numpy as jnp
import numpy as np

Z_LOSS_COEF = 0.001
AUX_LOSS_COEF = 0.01


def setup_inputs(seed: int = 0) -> dict:
    key = jax.random.key(seed)
    k1, k2 = jax.random.split(key)
    router_logits = jax.random.normal(k1, (4, 8192, 64), dtype=jnp.float32)
    expert_indexes = jax.random.randint(k2, (4, 8192, 2), 0, 64, dtype=jnp.int64 if jax.config.read('jax_enable_x64') else jnp.int32)
    return {"router_logits": router_logits, "expert_indexes": expert_indexes}


def _z_loss(router_logits):
    num_groups, tokens_per_group, _ = router_logits.shape
    log_z = jax.scipy.special.logsumexp(router_logits, axis=-1)
    z_loss = log_z ** 2
    return jnp.sum(z_loss) / (num_groups * tokens_per_group)


def _load_balancing_loss(router_probs, expert_indices):
    num_experts = router_probs.shape[-1]
    if expert_indices.ndim == 2:
        expert_indices = expert_indices[:, :, None]
    # one_hot -> [groups, tokens, top_k, E]; max over top_k axis (-2)
    expert_mask = jax.nn.one_hot(expert_indices, num_experts, dtype=jnp.float32)
    expert_mask = jnp.max(expert_mask, axis=-2)
    tokens_per_group_and_expert = jnp.mean(expert_mask, axis=-2)
    router_prob_per_group_and_expert = jnp.mean(router_probs, axis=-2)
    return jnp.mean(tokens_per_group_and_expert * router_prob_per_group_and_expert) * num_experts ** 2


def reference(router_logits, expert_indexes):
    # single router output, so _switch_unpack_router_logits concat is identity
    z_loss = _z_loss(router_logits)
    router_probs = jax.nn.softmax(router_logits, axis=-1)
    aux_loss = _load_balancing_loss(router_probs, expert_indexes)
    return Z_LOSS_COEF * z_loss + AUX_LOSS_COEF * aux_loss

if __name__ == "__main__":
    import jax
    _d = setup_inputs()
    print(jax.jit(kernel)(*tuple(_d.values())))

</pallas_src>

<mosaic_0001>
#map = affine_map<(d0, d1) -> (0)>
#map1 = affine_map<(d0, d1) -> (0, 0)>
module attributes {stable_mosaic.version = 14 : i64} {
  func.func @hist_kernel(%arg0: i32, %arg1: i32, %arg2: memref<65536xi32, #tpu.memory_space<hbm>>, %arg3: memref<32x64xf32, #tpu.memory_space<hbm>>, %arg4: memref<2048xi32, #tpu.memory_space<vmem>>, %arg5: memref<1024xf32, #tpu.memory_space<vmem>>, %arg6: memref<64xf32, #tpu.memory_space<vmem>>) attributes {dimension_semantics = [#tpu.dimension_semantics<core_parallel>, #tpu.dimension_semantics<subcore_parallel>], iteration_bounds = array<i64: 2, 16>, scalar_prefetch = 0 : i64, scratch_operands = 3 : i64, tpu.core_type = #tpu.core_type<sc_vector_subcore>, window_params = [{transform_indices = #map}, {transform_indices = #map1}]} {
    %mul3A = arith.constant 2 : i32
    %mul3A_0 = arith.muli %arg1, %mul3A : i32
    %add3A = arith.addi %mul3A_0, %arg0 : i32
    %mul3A_1 = arith.constant 2 : i32
    %mul3A_2 = arith.muli %add3A, %mul3A_1 : i32
    %mul3A_3 = arith.constant 1024 : i32
    %mul3A_4 = arith.muli %mul3A_2, %mul3A_3 : i32
    "tpu.region"() ({
      %run_scoped3A = tpu.sem_alloc : memref<!tpu.dma_semaphore, #tpu.memory_space<semaphore_mem>>
      %dma_start3A = tpu.memref_slice %arg2[%mul3A_4] : memref<65536xi32, #tpu.memory_space<hbm>> -> memref<2048xi32, #tpu.memory_space<hbm>>
      %dma_start3A_338 = tpu.memref_slice %arg2[%mul3A_4] : memref<65536xi32, #tpu.memory_space<hbm>> -> memref<2048xi32, #tpu.memory_space<hbm>>
      tpu.enqueue_dma source(%dma_start3A_338 : memref<2048xi32, #tpu.memory_space<hbm>>) target(%arg4 : memref<2048xi32, #tpu.memory_space<vmem>>) target_semaphore(%run_scoped3A : memref<!tpu.dma_semaphore, #tpu.memory_space<semaphore_mem>>)
      %dma_wait3A = tpu.memref_slice %arg2[%mul3A_4] : memref<65536xi32, #tpu.memory_space<hbm>> -> memref<2048xi32, #tpu.memory_space<hbm>>
      %dma_wait3A_339 = tpu.memref_slice %arg2[%mul3A_4] : memref<65536xi32, #tpu.memory_space<hbm>> -> memref<2048xi32, #tpu.memory_space<hbm>>
      tpu.wait_dma2 semaphore(%run_scoped3A : memref<!tpu.dma_semaphore, #tpu.memory_space<semaphore_mem>>) src(%dma_wait3A_339 : memref<2048xi32, #tpu.memory_space<hbm>>) dst(%arg4 : memref<2048xi32, #tpu.memory_space<vmem>>)
      tpu.yield
    }) : () -> ()
    %broadcast_in_dim3A = arith.constant 0.000000e+00 : f32
    %broadcast_in_dim3A_5 = vector.broadcast %broadcast_in_dim3A : f32 to vector<16xf32>
    %swap3A = arith.constant 0 : index
    %swap3A_6 = tpu.vector_load %arg5[%swap3A] {strides = array<i32>} : memref<1024xf32, #tpu.memory_space<vmem>>, vector<16xf32>,
    tpu.vector_store %arg5[%swap3A], %broadcast_in_dim3A_5 {strides = array<i32>} : memref<1024xf32, #tpu.memory_space<vmem>>, vector<16xf32>,
    %swap3A_7 = arith.constant 16 : index
    %swap3A_8 = tpu.vector_load %arg5[%swap3A_7] {strides = array<i32>} : memref<1024xf32, #tpu.memory_space<vmem>>, vector<16xf32>,
    tpu.vector_store %arg5[%swap3A_7], %broadcast_in_dim3A_5 {strides = array<i32>} : memref<1024xf32, #tpu.memory_space<vmem>>, vector<16xf32>,
    %swap3A_9 = arith.constant 32 : index
    %swap3A_10 = tpu.vector_load %arg5[%swap3A_9] {strides = array<i32>} : memref<1024xf32, #tpu.memory_space<vmem>>, vector<16xf32>,
    tpu.vector_store %arg5[%swap3A_9], %broadcast_in_dim3A_5 {strides = array<i32>} : memref<1024xf32, #tpu.memory_space<vmem>>, vector<16xf32>,
    %swap3A_11 = arith.constant 48 : index
    %swap3A_12 = tpu.vector_load %arg5[%swap3A_11] {strides = array<i32>} : memref<1024xf32, #tpu.memory_space<vmem>>, vector<16xf32>,
    tpu.vector_store %arg5[%swap3A_11], %broadcast_in_dim3A_5 {strides = array<i32>} : memref<1024xf32, #tpu.memory_space<vmem>>, vector<16xf32>,
    %swap3A_13 = arith.constant 64 : index
    %swap3A_14 = tpu.vector_load %arg5[%swap3A_13] {strides = array<i32>} : memref<1024xf32, #tpu.memory_space<vmem>>, vector<16xf32>,
    tpu.vector_store %arg5[%swap3A_13], %broadcast_in_dim3A_5 {strides = array<i32>} : memref<1024xf32, #tpu.memory_space<vmem>>, vector<16xf32>,
    %swap3A_15 = arith.constant 80 : index
    %swap3A_16 = tpu.vector_load %arg5[%swap3A_15] {strides = array<i32>} : memref<1024xf32, #tpu.memory_space<vmem>>, vector<16xf32>,
    tpu.vector_store %arg5[%swap3A_15], %broadcast_in_dim3A_5 {strides = array<i32>} : memref<1024xf32, #tpu.memory_space<vmem>>, vector<16xf32>,
    %swap3A_17 = arith.constant 96 : index
    %swap3A_18 = tpu.vector_load %arg5[%swap3A_17] {strides = array<i32>} : memref<1024xf32, #tpu.memory_space<vmem>>, vector<16xf32>,
    tpu.vector_store %arg5[%swap3A_17], %broadcast_in_dim3A_5 {strides = array<i32>} : memref<1024xf32, #tpu.memory_space<vmem>>, vector<16xf32>,
    %swap3A_19 = arith.constant 112 : index
    %swap3A_20 = tpu.vector_load %arg5[%swap3A_19] {strides = array<i32>} : memref<1024xf32, #tpu.memory_space<vmem>>, vector<16xf32>,
    tpu.vector_store %arg5[%swap3A_19], %broadcast_in_dim3A_5 {strides = array<i32>} : memref<1024xf32, #tpu.memory_space<vmem>>, vector<16xf32>,
    %swap3A_21 = arith.constant 128 : index
    %swap3A_22 = tpu.vector_load %arg5[%swap3A_21] {strides = array<i32>} : memref<1024xf32, #tpu.memory_space<vmem>>, vector<16xf32>,
    tpu.vector_store %arg5[%swap3A_21], %broadcast_in_dim3A_5 {strides = array<i32>} : memref<1024xf32, #tpu.memory_space<vmem>>, vector<16xf32>,
    %swap3A_23 = arith.constant 144 : index
    %swap3A_24 = tpu.vector_load %arg5[%swap3A_23] {strides = array<i32>} : memref<1024xf32, #tpu.memory_space<vmem>>, vector<16xf32>,
    tpu.vector_store %arg5[%swap3A_23], %broadcast_in_dim3A_5 {strides = array<i32>} : memref<1024xf32, #tpu.memory_space<vmem>>, vector<16xf32>,
    %swap3A_25 = arith.constant 160 : index
    %swap3A_26 = tpu.vector_load %arg5[%swap3A_25] {strides = array<i32>} : memref<1024xf32, #tpu.memory_space<vmem>>, vector<16xf32>,
    tpu.vector_store %arg5[%swap3A_25], %broadcast_in_dim3A_5 {strides = array<i32>} : memref<1024xf32, #tpu.memory_space<vmem>>, vector<16xf32>,
    %swap3A_27 = arith.constant 176 : index
    %swap3A_28 = tpu.vector_load %arg5[%swap3A_27] {strides = array<i32>} : memref<1024xf32, #tpu.memory_space<vmem>>, vector<16xf32>,
    tpu.vector_store %arg5[%swap3A_27], %broadcast_in_dim3A_5 {strides = array<i32>} : memref<1024xf32, #tpu.memory_space<vmem>>, vector<16xf32>,
    %swap3A_29 = arith.constant 192 : index
    %swap3A_30 = tpu.vector_load %arg5[%swap3A_29] {strides = array<i32>} : memref<1024xf32, #tpu.memory_space<vmem>>, vector<16xf32>,
    tpu.vector_store %arg5[%swap3A_29], %broadcast_in_dim3A_5 {strides = array<i32>} : memref<1024xf32, #tpu.memory_space<vmem>>, vector<16xf32>,
    %swap3A_31 = arith.constant 208 : index
    %swap3A_32 = tpu.vector_load %arg5[%swap3A_31] {strides = array<i32>} : memref<1024xf32, #tpu.memory_space<vmem>>, vector<16xf32>,
    tpu.vector_store %arg5[%swap3A_31], %broadcast_in_dim3A_5 {strides = array<i32>} : memref<1024xf32, #tpu.memory_space<vmem>>, vector<16xf32>,
    %swap3A_33 = arith.constant 224 : index
    %swap3A_34 = tpu.vector_load %arg5[%swap3A_33] {strides = array<i32>} : memref<1024xf32, #tpu.memory_space<vmem>>, vector<16xf32>,
    tpu.vector_store %arg5[%swap3A_33], %broadcast_in_dim3A_5 {strides = array<i32>} : memref<1024xf32, #tpu.memory_space<vmem>>, vector<16xf32>,
    %swap3A_35 = arith.constant 240 : index
    %swap3A_36 = tpu.vector_load %arg5[%swap3A_35] {strides = array<i32>} : memref<1024xf32, #tpu.memory_space<vmem>>, vector<16xf32>,
    tpu.vector_store %arg5[%swap3A_35], %broadcast_in_dim3A_5 {strides = array<i32>} : memref<1024xf32, #tpu.memory_space<vmem>>, vector<16xf32>,
    %swap3A_37 = arith.constant 256 : index
    %swap3A_38 = tpu.vector_load %arg5[%swap3A_37] {strides = array<i32>} : memref<1024xf32, #tpu.memory_space<vmem>>, vector<16xf32>,
    tpu.vector_store %arg5[%swap3A_37], %broadcast_in_dim3A_5 {strides = array<i32>} : memref<1024xf32, #tpu.memory_space<vmem>>, vector<16xf32>,
    %swap3A_39 = arith.constant 272 : index
    %swap3A_40 = tpu.vector_load %arg5[%swap3A_39] {strides = array<i32>} : memref<1024xf32, #tpu.memory_space<vmem>>, vector<16xf32>,
    tpu.vector_store %arg5[%swap3A_39], %broadcast_in_dim3A_5 {strides = array<i32>} : memref<1024xf32, #tpu.memory_space<vmem>>, vector<16xf32>,
    %swap3A_41 = arith.constant 288 : index
    %swap3A_42 = tpu.vector_load %arg5[%swap3A_41] {strides = array<i32>} : memref<1024xf32, #tpu.memory_space<vmem>>, vector<16xf32>,
    tpu.vector_store %arg5[%swap3A_41], %broadcast_in_dim3A_5 {strides = array<i32>} : memref<1024xf32, #tpu.memory_space<vmem>>, vector<16xf32>,
    %swap3A_43 = arith.constant 304 : index
    %swap3A_44 = tpu.vector_load %arg5[%swap3A_43] {strides = array<i32>} : memref<1024xf32, #tpu.memory_space<vmem>>, vector<16xf32>,
    tpu.vector_store %arg5[%swap3A_43], %broadcast_in_dim3A_5 {strides = array<i32>} : memref<1024xf32, #tpu.memory_space<vmem>>, vector<16xf32>,
    %swap3A_45 = arith.constant 320 : index
    %swap3A_46 = tpu.vector_load %arg5[%swap3A_45] {strides = array<i32>} : memref<1024xf32, #tpu.memory_space<vmem>>, vector<16xf32>,
    tpu.vector_store %arg5[%swap3A_45], %broadcast_in_dim3A_5 {strides = array<i32>} : memref<1024xf32, #tpu.memory_space<vmem>>, vector<16xf32>,
    %swap3A_47 = arith.constant 336 : index
    %swap3A_48 = tpu.vector_load %arg5[%swap3A_47] {strides = array<i32>} : memref<1024xf32, #tpu.memory_space<vmem>>, vector<16xf32>,
    tpu.vector_store %arg5[%swap3A_47], %broadcast_in_dim3A_5 {strides = array<i32>} : memref<1024xf32, #tpu.memory_space<vmem>>, vector<16xf32>,
    %swap3A_49 = arith.constant 352 : index
    %swap3A_50 = tpu.vector_load %arg5[%swap3A_49] {strides = array<i32>} : memref<1024xf32, #tpu.memory_space<vmem>>, vector<16xf32>,
    tpu.vector_store %arg5[%swap3A_49], %broadcast_in_dim3A_5 {strides = array<i32>} : memref<1024xf32, #tpu.memory_space<vmem>>, vector<16xf32>,
    %swap3A_51 = arith.constant 368 : index
    %swap3A_52 = tpu.vector_load %arg5[%swap3A_51] {strides = array<i32>} : memref<1024xf32, #tpu.memory_space<vmem>>, vector<16xf32>,
    tpu.vector_store %arg5[%swap3A_51], %broadcast_in_dim3A_5 {strides = array<i32>} : memref<1024xf32, #tpu.memory_space<vmem>>, vector<16xf32>,
    %swap3A_53 = arith.constant 384 : index
    %swap3A_54 = tpu.vector_load %arg5[%swap3A_53] {strides = array<i32>} : memref<1024xf32, #tpu.memory_space<vmem>>, vector<16xf32>,
    tpu.vector_store %arg5[%swap3A_53], %broadcast_in_dim3A_5 {strides = array<i32>} : memref<1024xf32, #tpu.memory_space<vmem>>, vector<16xf32>,
    %swap3A_55 = arith.constant 400 : index
    %swap3A_56 = tpu.vector_load %arg5[%swap3A_55] {strides = array<i32>} : memref<1024xf32, #tpu.memory_space<vmem>>, vector<16xf32>,
    tpu.vector_store %arg5[%swap3A_55], %broadcast_in_dim3A_5 {strides = array<i32>} : memref<1024xf32, #tpu.memory_space<vmem>>, vector<16xf32>,
    %swap3A_57 = arith.constant 416 : index
    %swap3A_58 = tpu.vector_load %arg5[%swap3A_57] {strides = array<i32>} : memref<1024xf32, #tpu.memory_space<vmem>>, vector<16xf32>,
    tpu.vector_store %arg5[%swap3A_57], %broadcast_in_dim3A_5 {strides = array<i32>} : memref<1024xf32, #tpu.memory_space<vmem>>, vector<16xf32>,
    %swap3A_59 = arith.constant 432 : index
    %swap3A_60 = tpu.vector_load %arg5[%swap3A_59] {strides = array<i32>} : memref<1024xf32, #tpu.memory_space<vmem>>, vector<16xf32>,
    tpu.vector_store %arg5[%swap3A_59], %broadcast_in_dim3A_5 {strides = array<i32>} : memref<1024xf32, #tpu.memory_space<vmem>>, vector<16xf32>,
    %swap3A_61 = arith.constant 448 : index
    %swap3A_62 = tpu.vector_load %arg5[%swap3A_61] {strides = array<i32>} : memref<1024xf32, #tpu.memory_space<vmem>>, vector<16xf32>,
    tpu.vector_store %arg5[%swap3A_61], %broadcast_in_dim3A_5 {strides = array<i32>} : memref<1024xf32, #tpu.memory_space<vmem>>, vector<16xf32>,
    %swap3A_63 = arith.constant 464 : index
    %swap3A_64 = tpu.vector_load %arg5[%swap3A_63] {strides = array<i32>} : memref<1024xf32, #tpu.memory_space<vmem>>, vector<16xf32>,
    tpu.vector_store %arg5[%swap3A_63], %broadcast_in_dim3A_5 {strides = array<i32>} : memref<1024xf32, #tpu.memory_space<vmem>>, vector<16xf32>,
    %swap3A_65 = arith.constant 480 : index
    %swap3A_66 = tpu.vector_load %arg5[%swap3A_65] {strides = array<i32>} : memref<1024xf32, #tpu.memory_space<vmem>>, vector<16xf32>,
    tpu.vector_store %arg5[%swap3A_65], %broadcast_in_dim3A_5 {strides = array<i32>} : memref<1024xf32, #tpu.memory_space<vmem>>, vector<16xf32>,
    %swap3A_67 = arith.constant 496 : index
    %swap3A_68 = tpu.vector_load %arg5[%swap3A_67] {strides = array<i32>} : memref<1024xf32, #tpu.memory_space<vmem>>, vector<16xf32>,
    tpu.vector_store %arg5[%swap3A_67], %broadcast_in_dim3A_5 {strides = array<i32>} : memref<1024xf32, #tpu.memory_space<vmem>>, vector<16xf32>,
    %swap3A_69 = arith.constant 512 : index
    %swap3A_70 = tpu.vector_load %arg5[%swap3A_69] {strides = array<i32>} : memref<1024xf32, #tpu.memory_space<vmem>>, vector<16xf32>,
    tpu.vector_store %arg5[%swap3A_69], %broadcast_in_dim3A_5 {strides = array<i32>} : memref<1024xf32, #tpu.memory_space<vmem>>, vector<16xf32>,
    %swap3A_71 = arith.constant 528 : index
    %swap3A_72 = tpu.vector_load %arg5[%swap3A_71] {strides = array<i32>} : memref<1024xf32, #tpu.memory_space<vmem>>, vector<16xf32>,
    tpu.vector_store %arg5[%swap3A_71], %broadcast_in_dim3A_5 {strides = array<i32>} : memref<1024xf32, #tpu.memory_space<vmem>>, vector<16xf32>,
    %swap3A_73 = arith.constant 544 : index
    %swap3A_74 = tpu.vector_load %arg5[%swap3A_73] {strides = array<i32>} : memref<1024xf32, #tpu.memory_space<vmem>>, vector<16xf32>,
    tpu.vector_store %arg5[%swap3A_73], %broadcast_in_dim3A_5 {strides = array<i32>} : memref<1024xf32, #tpu.memory_space<vmem>>, vector<16xf32>,
    %swap3A_75 = arith.constant 560 : index
    %swap3A_76 = tpu.vector_load %arg5[%swap3A_75] {strides = array<i32>} : memref<1024xf32, #tpu.memory_space<vmem>>, vector<16xf32>,
    tpu.vector_store %arg5[%swap3A_75], %broadcast_in_dim3A_5 {strides = array<i32>} : memref<1024xf32, #tpu.memory_space<vmem>>, vector<16xf32>,
    %swap3A_77 = arith.constant 576 : index
    %swap3A_78 = tpu.vector_load %arg5[%swap3A_77] {strides = array<i32>} : memref<1024xf32, #tpu.memory_space<vmem>>, vector<16xf32>,
    tpu.vector_store %arg5[%swap3A_77], %broadcast_in_dim3A_5 {strides = array<i32>} : memref<1024xf32, #tpu.memory_space<vmem>>, vector<16xf32>,
    %swap3A_79 = arith.constant 592 : index
    %swap3A_80 = tpu.vector_load %arg5[%swap3A_79] {strides = array<i32>} : memref<1024xf32, #tpu.memory_space<vmem>>, vector<16xf32>,
    tpu.vector_store %arg5[%swap3A_79], %broadcast_in_dim3A_5 {strides = array<i32>} : memref<1024xf32, #tpu.memory_space<vmem>>, vector<16xf32>,
    %swap3A_81 = arith.constant 608 : index
    %swap3A_82 = tpu.vector_load %arg5[%swap3A_81] {strides = array<i32>} : memref<1024xf32, #tpu.memory_space<vmem>>, vector<16xf32>,
    tpu.vector_store %arg5[%swap3A_81], %broadcast_in_dim3A_5 {strides = array<i32>} : memref<1024xf32, #tpu.memory_space<vmem>>, vector<16xf32>,
    %swap3A_83 = arith.constant 624 : index
    %swap3A_84 = tpu.vector_load %arg5[%swap3A_83] {strides = array<i32>} : memref<1024xf32, #tpu.memory_space<vmem>>, vector<16xf32>,
    tpu.vector_store %arg5[%swap3A_83], %broadcast_in_dim3A_5 {strides = array<i32>} : memref<1024xf32, #tpu.memory_space<vmem>>, vector<16xf32>,
    %swap3A_85 = arith.constant 640 : index
    %swap3A_86 = tpu.vector_load %arg5[%swap3A_85] {strides = array<i32>} : memref<1024xf32, #tpu.memory_space<vmem>>, vector<16xf32>,
    tpu.vector_store %arg5[%swap3A_85], %broadcast_in_dim3A_5 {strides = array<i32>} : memref<1024xf32, #tpu.memory_space<vmem>>, vector<16xf32>,
    %swap3A_87 = arith.constant 656 : index
    %swap3A_88 = tpu.vector_load %arg5[%swap3A_87] {strides = array<i32>} : memref<1024xf32, #tpu.memory_space<vmem>>, vector<16xf32>,
    tpu.vector_store %arg5[%swap3A_87], %broadcast_in_dim3A_5 {strides = array<i32>} : memref<1024xf32, #tpu.memory_space<vmem>>, vector<16xf32>,
    %swap3A_89 = arith.constant 672 : index
    %swap3A_90 = tpu.vector_load %arg5[%swap3A_89] {strides = array<i32>} : memref<1024xf32, #tpu.memory_space<vmem>>, vector<16xf32>,
    tpu.vector_store %arg5[%swap3A_89], %broadcast_in_dim3A_5 {strides = array<i32>} : memref<1024xf32, #tpu.memory_space<vmem>>, vector<16xf32>,
    %swap3A_91 = arith.constant 688 : index
    %swap3A_92 = tpu.vector_load %arg5[%swap3A_91] {strides = array<i32>} : memref<1024xf32, #tpu.memory_space<vmem>>, vector<16xf32>,
    tpu.vector_store %arg5[%swap3A_91], %broadcast_in_dim3A_5 {strides = array<i32>} : memref<1024xf32, #tpu.memory_space<vmem>>, vector<16xf32>,
    %swap3A_93 = arith.constant 704 : index
    %swap3A_94 = tpu.vector_load %arg5[%swap3A_93] {strides = array<i32>} : memref<1024xf32, #tpu.memory_space<vmem>>, vector<16xf32>,
    tpu.vector_store %arg5[%swap3A_93], %broadcast_in_dim3A_5 {strides = array<i32>} : memref<1024xf32, #tpu.memory_space<vmem>>, vector<16xf32>,
    %swap3A_95 = arith.constant 720 : index
    %swap3A_96 = tpu.vector_load %arg5[%swap3A_95] {strides = array<i32>} : memref<1024xf32, #tpu.memory_space<vmem>>, vector<16xf32>,
    tpu.vector_store %arg5[%swap3A_95], %broadcast_in_dim3A_5 {strides = array<i32>} : memref<1024xf32, #tpu.memory_space<vmem>>, vector<16xf32>,
    %swap3A_97 = arith.constant 736 : index
    %swap3A_98 = tpu.vector_load %arg5[%swap3A_97] {strides = array<i32>} : memref<1024xf32, #tpu.memory_space<vmem>>, vector<16xf32>,
    tpu.vector_store %arg5[%swap3A_97], %broadcast_in_dim3A_5 {strides = array<i32>} : memref<1024xf32, #tpu.memory_space<vmem>>, vector<16xf32>,
    %swap3A_99 = arith.constant 752 : index
    %swap3A_100 = tpu.vector_load %arg5[%swap3A_99] {strides = array<i32>} : memref<1024xf32, #tpu.memory_space<vmem>>, vector<16xf32>,
    tpu.vector_store %arg5[%swap3A_99], %broadcast_in_dim3A_5 {strides = array<i32>} : memref<1024xf32, #tpu.memory_space<vmem>>, vector<16xf32>,
    %swap3A_101 = arith.constant 768 : index
    %swap3A_102 = tpu.vector_load %arg5[%swap3A_101] {strides = array<i32>} : memref<1024xf32, #tpu.memory_space<vmem>>, vector<16xf32>,
    tpu.vector_store %arg5[%swap3A_101], %broadcast_in_dim3A_5 {strides = array<i32>} : memref<1024xf32, #tpu.memory_space<vmem>>, vector<16xf32>,
    %swap3A_103 = arith.constant 784 : index
    %swap3A_104 = tpu.vector_load %arg5[%swap3A_103] {strides = array<i32>} : memref<1024xf32, #tpu.memory_space<vmem>>, vector<16xf32>,
    tpu.vector_store %arg5[%swap3A_103], %broadcast_in_dim3A_5 {strides = array<i32>} : memref<1024xf32, #tpu.memory_space<vmem>>, vector<16xf32>,
    %swap3A_105 = arith.constant 800 : index
    %swap3A_106 = tpu.vector_load %arg5[%swap3A_105] {strides = array<i32>} : memref<1024xf32, #tpu.memory_space<vmem>>, vector<16xf32>,
    tpu.vector_store %arg5[%swap3A_105], %broadcast_in_dim3A_5 {strides = array<i32>} : memref<1024xf32, #tpu.memory_space<vmem>>, vector<16xf32>,
    %swap3A_107 = arith.constant 816 : index
    %swap3A_108 = tpu.vector_load %arg5[%swap3A_107] {strides = array<i32>} : memref<1024xf32, #tpu.memory_space<vmem>>, vector<16xf32>,
    tpu.vector_store %arg5[%swap3A_107], %broadcast_in_dim3A_5 {strides = array<i32>} : memref<1024xf32, #tpu.memory_space<vmem>>, vector<16xf32>,
    %swap3A_109 = arith.constant 832 : index
    %swap3A_110 = tpu.vector_load %arg5[%swap3A_109] {strides = array<i32>} : memref<1024xf32, #tpu.memory_space<vmem>>, vector<16xf32>,
    tpu.vector_store %arg5[%swap3A_109], %broadcast_in_dim3A_5 {strides = array<i32>} : memref<1024xf32, #tpu.memory_space<vmem>>, vector<16xf32>,
    %swap3A_111 = arith.constant 848 : index
    %swap3A_112 = tpu.vector_load %arg5[%swap3A_111] {strides = array<i32>} : memref<1024xf32, #tpu.memory_space<vmem>>, vector<16xf32>,
    tpu.vector_store %arg5[%swap3A_111], %broadcast_in_dim3A_5 {strides = array<i32>} : memref<1024xf32, #tpu.memory_space<vmem>>, vector<16xf32>,
    %swap3A_113 = arith.constant 864 : index
    %swap3A_114 = tpu.vector_load %arg5[%swap3A_113] {strides = array<i32>} : memref<1024xf32, #tpu.memory_space<vmem>>, vector<16xf32>,
    tpu.vector_store %arg5[%swap3A_113], %broadcast_in_dim3A_5 {strides = array<i32>} : memref<1024xf32, #tpu.memory_space<vmem>>, vector<16xf32>,
    %swap3A_115 = arith.constant 880 : index
    %swap3A_116 = tpu.vector_load %arg5[%swap3A_115] {strides = array<i32>} : memref<1024xf32, #tpu.memory_space<vmem>>, vector<16xf32>,
    tpu.vector_store %arg5[%swap3A_115], %broadcast_in_dim3A_5 {strides = array<i32>} : memref<1024xf32, #tpu.memory_space<vmem>>, vector<16xf32>,
    %swap3A_117 = arith.constant 896 : index
    %swap3A_118 = tpu.vector_load %arg5[%swap3A_117] {strides = array<i32>} : memref<1024xf32, #tpu.memory_space<vmem>>, vector<16xf32>,
    tpu.vector_store %arg5[%swap3A_117], %broadcast_in_dim3A_5 {strides = array<i32>} : memref<1024xf32, #tpu.memory_space<vmem>>, vector<16xf32>,
    %swap3A_119 = arith.constant 912 : index
    %swap3A_120 = tpu.vector_load %arg5[%swap3A_119] {strides = array<i32>} : memref<1024xf32, #tpu.memory_space<vmem>>, vector<16xf32>,
    tpu.vector_store %arg5[%swap3A_119], %broadcast_in_dim3A_5 {strides = array<i32>} : memref<1024xf32, #tpu.memory_space<vmem>>, vector<16xf32>,
    %swap3A_121 = arith.constant 928 : index
    %swap3A_122 = tpu.vector_load %arg5[%swap3A_121] {strides = array<i32>} : memref<1024xf32, #tpu.memory_space<vmem>>, vector<16xf32>,
    tpu.vector_store %arg5[%swap3A_121], %broadcast_in_dim3A_5 {strides = array<i32>} : memref<1024xf32, #tpu.memory_space<vmem>>, vector<16xf32>,
    %swap3A_123 = arith.constant 944 : index
    %swap3A_124 = tpu.vector_load %arg5[%swap3A_123] {strides = array<i32>} : memref<1024xf32, #tpu.memory_space<vmem>>, vector<16xf32>,
    tpu.vector_store %arg5[%swap3A_123], %broadcast_in_dim3A_5 {strides = array<i32>} : memref<1024xf32, #tpu.memory_space<vmem>>, vector<16xf32>,
    %swap3A_125 = arith.constant 960 : index
    %swap3A_126 = tpu.vector_load %arg5[%swap3A_125] {strides = array<i32>} : memref<1024xf32, #tpu.memory_space<vmem>>, vector<16xf32>,
    tpu.vector_store %arg5[%swap3A_125], %broadcast_in_dim3A_5 {strides = array<i32>} : memref<1024xf32, #tpu.memory_space<vmem>>, vector<16xf32>,
    %swap3A_127 = arith.constant 976 : index
    %swap3A_128 = tpu.vector_load %arg5[%swap3A_127] {strides = array<i32>} : memref<1024xf32, #tpu.memory_space<vmem>>, vector<16xf32>,
    tpu.vector_store %arg5[%swap3A_127], %broadcast_in_dim3A_5 {strides = array<i32>} : memref<1024xf32, #tpu.memory_space<vmem>>, vector<16xf32>,
    %swap3A_129 = arith.constant 992 : index
    %swap3A_130 = tpu.vector_load %arg5[%swap3A_129] {strides = array<i32>} : memref<1024xf32, #tpu.memory_space<vmem>>, vector<16xf32>,
    tpu.vector_store %arg5[%swap3A_129], %broadcast_in_dim3A_5 {strides = array<i32>} : memref<1024xf32, #tpu.memory_space<vmem>>, vector<16xf32>,
    %swap3A_131 = arith.constant 1008 : index
    %swap3A_132 = tpu.vector_load %arg5[%swap3A_131] {strides = array<i32>} : memref<1024xf32, #tpu.memory_space<vmem>>, vector<16xf32>,
    tpu.vector_store %arg5[%swap3A_131], %broadcast_in_dim3A_5 {strides = array<i32>} : memref<1024xf32, #tpu.memory_space<vmem>>, vector<16xf32>,
    %iota3A = tpu.iota {dimensions = array<i32: 0>} : vector<16xi32>
    %mul3A_133 = arith.constant 64 : i32
    %mul3A_134 = vector.broadcast %mul3A_133 : i32 to vector<16xi32>
    %mul3A_135 = arith.muli %iota3A, %mul3A_134 : vector<16xi32>
    %broadcast_in_dim3A_136 = arith.constant 1.000000e+00 : f32
    %broadcast_in_dim3A_137 = vector.broadcast %broadcast_in_dim3A_136 : f32 to vector<16xf32>
    %scan3A = arith.constant 0 : i32
    %scan3A_138 = arith.constant 0 : i32
    %scan3A_139 = arith.constant 64 : i32
    %scan3A_140 = arith.addi %scan3A_138, %scan3A_139 : i32
    %scan3A_141 = arith.constant 1 : i32
    scf.for %scan3A_338 = %scan3A_138 to %scan3A_140 step %scan3A_141  : i32 {
      %shift_right_arithmetic3A = arith.constant 3 : i32
      %shift_right_arithmetic3A_339 = arith.shrsi %scan3A_338, %shift_right_arithmetic3A : i32
      %mul3A_340 = arith.constant 256 : i32
      %mul3A_341 = arith.muli %shift_right_arithmetic3A_339, %mul3A_340 : i32
      %and3A = arith.constant 7 : i32
      %and3A_342 = arith.andi %scan3A_338, %and3A : i32
      %mul3A_343 = arith.constant 16 : i32
      %mul3A_344 = arith.muli %and3A_342, %mul3A_343 : i32
      %add3A_345 = arith.addi %mul3A_341, %mul3A_344 : i32
      %get3A_346 = arith.index_cast %add3A_345 : i32 to index
      %get3A_347 = tpu.vector_load %arg4[%get3A_346] {strides = array<i32>} : memref<2048xi32, #tpu.memory_space<vmem>>, vector<16xi32>,
      %add3A_348 = arith.constant 128 : i32
      %add3A_349 = arith.addi %add3A_345, %add3A_348 : i32
      %get3A_350 = arith.index_cast %add3A_349 : i32 to index
      %get3A_351 = tpu.vector_load %arg4[%get3A_350] {strides = array<i32>} : memref<2048xi32, #tpu.memory_space<vmem>>, vector<16xi32>,
      %add3A_352 = arith.addi %mul3A_135, %get3A_347 : vector<16xi32>
      tpu.vector_store_idx %arg5[%add3A_352], %broadcast_in_dim3A_137 {add = true} : memref<1024xf32, #tpu.memory_space<vmem>>[vector<16xi32>], vector<16xf32>,
      %add3A_353 = arith.addi %mul3A_135, %get3A_351 : vector<16xi32>
      %ne3A = arith.cmpi ne, %get3A_351, %get3A_347 : vector<16xi32>
      tpu.vector_store_idx %arg5[%add3A_353], %broadcast_in_dim3A_137 masked %ne3A {add = true} : memref<1024xf32, #tpu.memory_space<vmem>>[vector<16xi32>], vector<16xf32>, vector<16xi1>
    }
    %scan3A_142 = arith.constant 64 : i32
    %get3A = arith.constant 0 : index
    %get3A_143 = tpu.vector_load %arg5[%get3A] {strides = array<i32>} : memref<1024xf32, #tpu.memory_space<vmem>>, vector<16xf32>,
    %get3A_144 = arith.constant 64 : index
    %get3A_145 = tpu.vector_load %arg5[%get3A_144] {strides = array<i32>} : memref<1024xf32, #tpu.memory_space<vmem>>, vector<16xf32>,
    %add3A_146 = arith.addf %get3A_143, %get3A_145 : vector<16xf32>
    %get3A_147 = arith.constant 128 : index
    %get3A_148 = tpu.vector_load %arg5[%get3A_147] {strides = array<i32>} : memref<1024xf32, #tpu.memory_space<vmem>>, vector<16xf32>,
    %add3A_149 = arith.addf %add3A_146, %get3A_148 : vector<16xf32>
    %get3A_150 = arith.constant 192 : index
    %get3A_151 = tpu.vector_load %arg5[%get3A_150] {strides = array<i32>} : memref<1024xf32, #tpu.memory_space<vmem>>, vector<16xf32>,
    %add3A_152 = arith.addf %add3A_149, %get3A_151 : vector<16xf32>
    %get3A_153 = arith.constant 256 : index
    %get3A_154 = tpu.vector_load %arg5[%get3A_153] {strides = array<i32>} : memref<1024xf32, #tpu.memory_space<vmem>>, vector<16xf32>,
    %add3A_155 = arith.addf %add3A_152, %get3A_154 : vector<16xf32>
    %get3A_156 = arith.constant 320 : index
    %get3A_157 = tpu.vector_load %arg5[%get3A_156] {strides = array<i32>} : memref<1024xf32, #tpu.memory_space<vmem>>, vector<16xf32>,
    %add3A_158 = arith.addf %add3A_155, %get3A_157 : vector<16xf32>
    %get3A_159 = arith.constant 384 : index
    %get3A_160 = tpu.vector_load %arg5[%get3A_159] {strides = array<i32>} : memref<1024xf32, #tpu.memory_space<vmem>>, vector<16xf32>,
    %add3A_161 = arith.addf %add3A_158, %get3A_160 : vector<16xf32>
    %get3A_162 = arith.constant 448 : index
    %get3A_163 = tpu.vector_load %arg5[%get3A_162] {strides = array<i32>} : memref<1024xf32, #tpu.memory_space<vmem>>, vector<16xf32>,
    %add3A_164 = arith.addf %add3A_161, %get3A_163 : vector<16xf32>
    %get3A_165 = arith.constant 512 : index
    %get3A_166 = tpu.vector_load %arg5[%get3A_165] {strides = array<i32>} : memref<1024xf32, #tpu.memory_space<vmem>>, vector<16xf32>,
    %add3A_167 = arith.addf %add3A_164, %get3A_166 : vector<16xf32>
    %get3A_168 = arith.constant 576 : index
    %get3A_169 = tpu.vector_load %arg5[%get3A_168] {strides = array<i32>} : memref<1024xf32, #tpu.memory_space<vmem>>, vector<16xf32>,
    %add3A_170 = arith.addf %add3A_167, %get3A_169 : vector<16xf32>
    %get3A_171 = arith.constant 640 : index
    %get3A_172 = tpu.vector_load %arg5[%get3A_171] {strides = array<i32>} : memref<1024xf32, #tpu.memory_space<vmem>>, vector<16xf32>,
    %add3A_173 = arith.addf %add3A_170, %get3A_172 : vector<16xf32>
    %get3A_174 = arith.constant 704 : index
    %get3A_175 = tpu.vector_load %arg5[%get3A_174] {strides = array<i32>} : memref<1024xf32, #tpu.memory_space<vmem>>, vector<16xf32>,
    %add3A_176 = arith.addf %add3A_173, %get3A_175 : vector<16xf32>
    %get3A_177 = arith.constant 768 : index
    %get3A_178 = tpu.vector_load %arg5[%get3A_177] {strides = array<i32>} : memref<1024xf32, #tpu.memory_space<vmem>>, vector<16xf32>,
    %add3A_179 = arith.addf %add3A_176, %get3A_178 : vector<16xf32>
    %get3A_180 = arith.constant 832 : index
    %get3A_181 = tpu.vector_load %arg5[%get3A_180] {strides = array<i32>} : memref<1024xf32, #tpu.memory_space<vmem>>, vector<16xf32>,
    %add3A_182 = arith.addf %add3A_179, %get3A_181 : vector<16xf32>
    %get3A_183 = arith.constant 896 : index
    %get3A_184 = tpu.vector_load %arg5[%get3A_183] {strides = array<i32>} : memref<1024xf32, #tpu.memory_space<vmem>>, vector<16xf32>,
    %add3A_185 = arith.addf %add3A_182, %get3A_184 : vector<16xf32>
    %get3A_186 = arith.constant 960 : index
    %get3A_187 = tpu.vector_load %arg5[%get3A_186] {strides = array<i32>} : memref<1024xf32, #tpu.memory_space<vmem>>, vector<16xf32>,
    %add3A_188 = arith.addf %add3A_185, %get3A_187 : vector<16xf32>
    %swap3A_189 = arith.constant 0 : index
    %swap3A_190 = tpu.vector_load %arg6[%swap3A_189] {strides = array<i32>} : memref<64xf32, #tpu.memory_space<vmem>>, vector<16xf32>,
    tpu.vector_store %arg6[%swap3A_189], %add3A_188 {strides = array<i32>} : memref<64xf32, #tpu.memory_space<vmem>>, vector<16xf32>,
    %get3A_191 = arith.constant 16 : index
    %get3A_192 = tpu.vector_load %arg5[%get3A_191] {strides = array<i32>} : memref<1024xf32, #tpu.memory_space<vmem>>, vector<16xf32>,
    %get3A_193 = arith.constant 80 : index
    %get3A_194 = tpu.vector_load %arg5[%get3A_193] {strides = array<i32>} : memref<1024xf32, #tpu.memory_space<vmem>>, vector<16xf32>,
    %add3A_195 = arith.addf %get3A_192, %get3A_194 : vector<16xf32>
    %get3A_196 = arith.constant 144 : index
    %get3A_197 = tpu.vector_load %arg5[%get3A_196] {strides = array<i32>} : memref<1024xf32, #tpu.memory_space<vmem>>, vector<16xf32>,
    %add3A_198 = arith.addf %add3A_195, %get3A_197 : vector<16xf32>
    %get3A_199 = arith.constant 208 : index
    %get3A_200 = tpu.vector_load %arg5[%get3A_199] {strides = array<i32>} : memref<1024xf32, #tpu.memory_space<vmem>>, vector<16xf32>,
    %add3A_201 = arith.addf %add3A_198, %get3A_200 : vector<16xf32>
    %get3A_202 = arith.constant 272 : index
    %get3A_203 = tpu.vector_load %arg5[%get3A_202] {strides = array<i32>} : memref<1024xf32, #tpu.memory_space<vmem>>, vector<16xf32>,
    %add3A_204 = arith.addf %add3A_201, %get3A_203 : vector<16xf32>
    %get3A_205 = arith.constant 336 : index
    %get3A_206 = tpu.vector_load %arg5[%get3A_205] {strides = array<i32>} : memref<1024xf32, #tpu.memory_space<vmem>>, vector<16xf32>,
    %add3A_207 = arith.addf %add3A_204, %get3A_206 : vector<16xf32>
    %get3A_208 = arith.constant 400 : index
    %get3A_209 = tpu.vector_load %arg5[%get3A_208] {strides = array<i32>} : memref<1024xf32, #tpu.memory_space<vmem>>, vector<16xf32>,
    %add3A_210 = arith.addf %add3A_207, %get3A_209 : vector<16xf32>
    %get3A_211 = arith.constant 464 : index
    %get3A_212 = tpu.vector_load %arg5[%get3A_211] {strides = array<i32>} : memref<1024xf32, #tpu.memory_space<vmem>>, vector<16xf32>,
    %add3A_213 = arith.addf %add3A_210, %get3A_212 : vector<16xf32>
    %get3A_214 = arith.constant 528 : index
    %get3A_215 = tpu.vector_load %arg5[%get3A_214] {strides = array<i32>} : memref<1024xf32, #tpu.memory_space<vmem>>, vector<16xf32>,
    %add3A_216 = arith.addf %add3A_213, %get3A_215 : vector<16xf32>
    %get3A_217 = arith.constant 592 : index
    %get3A_218 = tpu.vector_load %arg5[%get3A_217] {strides = array<i32>} : memref<1024xf32, #tpu.memory_space<vmem>>, vector<16xf32>,
    %add3A_219 = arith.addf %add3A_216, %get3A_218 : vector<16xf32>
    %get3A_220 = arith.constant 656 : index
    %get3A_221 = tpu.vector_load %arg5[%get3A_220] {strides = array<i32>} : memref<1024xf32, #tpu.memory_space<vmem>>, vector<16xf32>,
    %add3A_222 = arith.addf %add3A_219, %get3A_221 : vector<16xf32>
    %get3A_223 = arith.constant 720 : index
    %get3A_224 = tpu.vector_load %arg5[%get3A_223] {strides = array<i32>} : memref<1024xf32, #tpu.memory_space<vmem>>, vector<16xf32>,
    %add3A_225 = arith.addf %add3A_222, %get3A_224 : vector<16xf32>
    %get3A_226 = arith.constant 784 : index
    %get3A_227 = tpu.vector_load %arg5[%get3A_226] {strides = array<i32>} : memref<1024xf32, #tpu.memory_space<vmem>>, vector<16xf32>,
    %add3A_228 = arith.addf %add3A_225, %get3A_227 : vector<16xf32>
    %get3A_229 = arith.constant 848 : index
    %get3A_230 = tpu.vector_load %arg5[%get3A_229] {strides = array<i32>} : memref<1024xf32, #tpu.memory_space<vmem>>, vector<16xf32>,
    %add3A_231 = arith.addf %add3A_228, %get3A_230 : vector<16xf32>
    %get3A_232 = arith.constant 912 : index
    %get3A_233 = tpu.vector_load %arg5[%get3A_232] {strides = array<i32>} : memref<1024xf32, #tpu.memory_space<vmem>>, vector<16xf32>,
    %add3A_234 = arith.addf %add3A_231, %get3A_233 : vector<16xf32>
    %get3A_235 = arith.constant 976 : index
    %get3A_236 = tpu.vector_load %arg5[%get3A_235] {strides = array<i32>} : memref<1024xf32, #tpu.memory_space<vmem>>, vector<16xf32>,
    %add3A_237 = arith.addf %add3A_234, %get3A_236 : vector<16xf32>
    %swap3A_238 = arith.constant 16 : index
    %swap3A_239 = tpu.vector_load %arg6[%swap3A_238] {strides = array<i32>} : memref<64xf32, #tpu.memory_space<vmem>>, vector<16xf32>,
    tpu.vector_store %arg6[%swap3A_238], %add3A_237 {strides = array<i32>} : memref<64xf32, #tpu.memory_space<vmem>>, vector<16xf32>,
    %get3A_240 = arith.constant 32 : index
    %get3A_241 = tpu.vector_load %arg5[%get3A_240] {strides = array<i32>} : memref<1024xf32, #tpu.memory_space<vmem>>, vector<16xf32>,
    %get3A_242 = arith.constant 96 : index
    %get3A_243 = tpu.vector_load %arg5[%get3A_242] {strides = array<i32>} : memref<1024xf32, #tpu.memory_space<vmem>>, vector<16xf32>,
    %add3A_244 = arith.addf %get3A_241, %get3A_243 : vector<16xf32>
    %get3A_245 = arith.constant 160 : index
    %get3A_246 = tpu.vector_load %arg5[%get3A_245] {strides = array<i32>} : memref<1024xf32, #tpu.memory_space<vmem>>, vector<16xf32>,
    %add3A_247 = arith.addf %add3A_244, %get3A_246 : vector<16xf32>
    %get3A_248 = arith.constant 224 : index
    %get3A_249 = tpu.vector_load %arg5[%get3A_248] {strides = array<i32>} : memref<1024xf32, #tpu.memory_space<vmem>>, vector<16xf32>,
    %add3A_250 = arith.addf %add3A_247, %get3A_249 : vector<16xf32>
    %get3A_251 = arith.constant 288 : index
    %get3A_252 = tpu.vector_load %arg5[%get3A_251] {strides = array<i32>} : memref<1024xf32, #tpu.memory_space<vmem>>, vector<16xf32>,
    %add3A_253 = arith.addf %add3A_250, %get3A_252 : vector<16xf32>
    %get3A_254 = arith.constant 352 : index
    %get3A_255 = tpu.vector_load %arg5[%get3A_254] {strides = array<i32>} : memref<1024xf32, #tpu.memory_space<vmem>>, vector<16xf32>,
    %add3A_256 = arith.addf %add3A_253, %get3A_255 : vector<16xf32>
    %get3A_257 = arith.constant 416 : index
    %get3A_258 = tpu.vector_load %arg5[%get3A_257] {strides = array<i32>} : memref<1024xf32, #tpu.memory_space<vmem>>, vector<16xf32>,
    %add3A_259 = arith.addf %add3A_256, %get3A_258 : vector<16xf32>
    %get3A_260 = arith.constant 480 : index
    %get3A_261 = tpu.vector_load %arg5[%get3A_260] {strides = array<i32>} : memref<1024xf32, #tpu.memory_space<vmem>>, vector<16xf32>,
    %add3A_262 = arith.addf %add3A_259, %get3A_261 : vector<16xf32>
    %get3A_263 = arith.constant 544 : index
    %get3A_264 = tpu.vector_load %arg5[%get3A_263] {strides = array<i32>} : memref<1024xf32, #tpu.memory_space<vmem>>, vector<16xf32>,
    %add3A_265 = arith.addf %add3A_262, %get3A_264 : vector<16xf32>
    %get3A_266 = arith.constant 608 : index
    %get3A_267 = tpu.vector_load %arg5[%get3A_266] {strides = array<i32>} : memref<1024xf32, #tpu.memory_space<vmem>>, vector<16xf32>,
    %add3A_268 = arith.addf %add3A_265, %get3A_267 : vector<16xf32>
    %get3A_269 = arith.constant 672 : index
    %get3A_270 = tpu.vector_load %arg5[%get3A_269] {strides = array<i32>} : memref<1024xf32, #tpu.memory_space<vmem>>, vector<16xf32>,
    %add3A_271 = arith.addf %add3A_268, %get3A_270 : vector<16xf32>
    %get3A_272 = arith.constant 736 : index
    %get3A_273 = tpu.vector_load %arg5[%get3A_272] {strides = array<i32>} : memref<1024xf32, #tpu.memory_space<vmem>>, vector<16xf32>,
    %add3A_274 = arith.addf %add3A_271, %get3A_273 : vector<16xf32>
    %get3A_275 = arith.constant 800 : index
    %get3A_276 = tpu.vector_load %arg5[%get3A_275] {strides = array<i32>} : memref<1024xf32, #tpu.memory_space<vmem>>, vector<16xf32>,
    %add3A_277 = arith.addf %add3A_274, %get3A_276 : vector<16xf32>
    %get3A_278 = arith.constant 864 : index
    %get3A_279 = tpu.vector_load %arg5[%get3A_278] {strides = array<i32>} : memref<1024xf32, #tpu.memory_space<vmem>>, vector<16xf32>,
    %add3A_280 = arith.addf %add3A_277, %get3A_279 : vector<16xf32>
    %get3A_281 = arith.constant 928 : index
    %get3A_282 = tpu.vector_load %arg5[%get3A_281] {strides = array<i32>} : memref<1024xf32, #tpu.memory_space<vmem>>, vector<16xf32>,
    %add3A_283 = arith.addf %add3A_280, %get3A_282 : vector<16xf32>
    %get3A_284 = arith.constant 992 : index
    %get3A_285 = tpu.vector_load %arg5[%get3A_284] {strides = array<i32>} : memref<1024xf32, #tpu.memory_space<vmem>>, vector<16xf32>,
    %add3A_286 = arith.addf %add3A_283, %get3A_285 : vector<16xf32>
    %swap3A_287 = arith.constant 32 : index
    %swap3A_288 = tpu.vector_load %arg6[%swap3A_287] {strides = array<i32>} : memref<64xf32, #tpu.memory_space<vmem>>, vector<16xf32>,
    tpu.vector_store %arg6[%swap3A_287], %add3A_286 {strides = array<i32>} : memref<64xf32, #tpu.memory_space<vmem>>, vector<16xf32>,
    %get3A_289 = arith.constant 48 : index
    %get3A_290 = tpu.vector_load %arg5[%get3A_289] {strides = array<i32>} : memref<1024xf32, #tpu.memory_space<vmem>>, vector<16xf32>,
    %get3A_291 = arith.constant 112 : index
    %get3A_292 = tpu.vector_load %arg5[%get3A_291] {strides = array<i32>} : memref<1024xf32, #tpu.memory_space<vmem>>, vector<16xf32>,
    %add3A_293 = arith.addf %get3A_290, %get3A_292 : vector<16xf32>
    %get3A_294 = arith.constant 176 : index
    %get3A_295 = tpu.vector_load %arg5[%get3A_294] {strides = array<i32>} : memref<1024xf32, #tpu.memory_space<vmem>>, vector<16xf32>,
    %add3A_296 = arith.addf %add3A_293, %get3A_295 : vector<16xf32>
    %get3A_297 = arith.constant 240 : index
    %get3A_298 = tpu.vector_load %arg5[%get3A_297] {strides = array<i32>} : memref<1024xf32, #tpu.memory_space<vmem>>, vector<16xf32>,
    %add3A_299 = arith.addf %add3A_296, %get3A_298 : vector<16xf32>
    %get3A_300 = arith.constant 304 : index
    %get3A_301 = tpu.vector_load %arg5[%get3A_300] {strides = array<i32>} : memref<1024xf32, #tpu.memory_space<vmem>>, vector<16xf32>,
    %add3A_302 = arith.addf %add3A_299, %get3A_301 : vector<16xf32>
    %get3A_303 = arith.constant 368 : index
    %get3A_304 = tpu.vector_load %arg5[%get3A_303] {strides = array<i32>} : memref<1024xf32, #tpu.memory_space<vmem>>, vector<16xf32>,
    %add3A_305 = arith.addf %add3A_302, %get3A_304 : vector<16xf32>
    %get3A_306 = arith.constant 432 : index
    %get3A_307 = tpu.vector_load %arg5[%get3A_306] {strides = array<i32>} : memref<1024xf32, #tpu.memory_space<vmem>>, vector<16xf32>,
    %add3A_308 = arith.addf %add3A_305, %get3A_307 : vector<16xf32>
    %get3A_309 = arith.constant 496 : index
    %get3A_310 = tpu.vector_load %arg5[%get3A_309] {strides = array<i32>} : memref<1024xf32, #tpu.memory_space<vmem>>, vector<16xf32>,
    %add3A_311 = arith.addf %add3A_308, %get3A_310 : vector<16xf32>
    %get3A_312 = arith.constant 560 : index
    %get3A_313 = tpu.vector_load %arg5[%get3A_312] {strides = array<i32>} : memref<1024xf32, #tpu.memory_space<vmem>>, vector<16xf32>,
    %add3A_314 = arith.addf %add3A_311, %get3A_313 : vector<16xf32>
    %get3A_315 = arith.constant 624 : index
    %get3A_316 = tpu.vector_load %arg5[%get3A_315] {strides = array<i32>} : memref<1024xf32, #tpu.memory_space<vmem>>, vector<16xf32>,
    %add3A_317 = arith.addf %add3A_314, %get3A_316 : vector<16xf32>
    %get3A_318 = arith.constant 688 : index
    %get3A_319 = tpu.vector_load %arg5[%get3A_318] {strides = array<i32>} : memref<1024xf32, #tpu.memory_space<vmem>>, vector<16xf32>,
    %add3A_320 = arith.addf %add3A_317, %get3A_319 : vector<16xf32>
    %get3A_321 = arith.constant 752 : index
    %get3A_322 = tpu.vector_load %arg5[%get3A_321] {strides = array<i32>} : memref<1024xf32, #tpu.memory_space<vmem>>, vector<16xf32>,
    %add3A_323 = arith.addf %add3A_320, %get3A_322 : vector<16xf32>
    %get3A_324 = arith.constant 816 : index
    %get3A_325 = tpu.vector_load %arg5[%get3A_324] {strides = array<i32>} : memref<1024xf32, #tpu.memory_space<vmem>>, vector<16xf32>,
    %add3A_326 = arith.addf %add3A_323, %get3A_325 : vector<16xf32>
    %get3A_327 = arith.constant 880 : index
    %get3A_328 = tpu.vector_load %arg5[%get3A_327] {strides = array<i32>} : memref<1024xf32, #tpu.memory_space<vmem>>, vector<16xf32>,
    %add3A_329 = arith.addf %add3A_326, %get3A_328 : vector<16xf32>
    %get3A_330 = arith.constant 944 : index
    %get3A_331 = tpu.vector_load %arg5[%get3A_330] {strides = array<i32>} : memref<1024xf32, #tpu.memory_space<vmem>>, vector<16xf32>,
    %add3A_332 = arith.addf %add3A_329, %get3A_331 : vector<16xf32>
    %get3A_333 = arith.constant 1008 : index
    %get3A_334 = tpu.vector_load %arg5[%get3A_333] {strides = array<i32>} : memref<1024xf32, #tpu.memory_space<vmem>>, vector<16xf32>,
    %add3A_335 = arith.addf %add3A_332, %get3A_334 : vector<16xf32>
    %swap3A_336 = arith.constant 48 : index
    %swap3A_337 = tpu.vector_load %arg6[%swap3A_336] {strides = array<i32>} : memref<64xf32, #tpu.memory_space<vmem>>, vector<16xf32>,
    tpu.vector_store %arg6[%swap3A_336], %add3A_335 {strides = array<i32>} : memref<64xf32, #tpu.memory_space<vmem>>, vector<16xf32>,
    "tpu.region"() ({
      %run_scoped3A = tpu.sem_alloc : memref<!tpu.dma_semaphore, #tpu.memory_space<semaphore_mem>>
      %dma_start3A = arith.constant 0 : i32
      %dma_start3A_338 = tpu.memref_slice %arg3[%add3A, %dma_start3A] : memref<32x64xf32, #tpu.memory_space<hbm>> -> memref<1x64xf32, #tpu.memory_space<hbm>>
      %dma_start3A_339 = tpu.memref_squeeze %dma_start3A_338 : memref<1x64xf32, #tpu.memory_space<hbm>> -> memref<64xf32, #tpu.memory_space<hbm>>
      %dma_start3A_340 = arith.constant 0 : i32
      %dma_start3A_341 = tpu.memref_slice %arg3[%add3A, %dma_start3A_340] : memref<32x64xf32, #tpu.memory_space<hbm>> -> memref<1x64xf32, #tpu.memory_space<hbm>>
      %dma_start3A_342 = tpu.memref_squeeze %dma_start3A_341 : memref<1x64xf32, #tpu.memory_space<hbm>> -> memref<64xf32, #tpu.memory_space<hbm>>
      tpu.enqueue_dma source(%arg6 : memref<64xf32, #tpu.memory_space<vmem>>) target(%dma_start3A_342 : memref<64xf32, #tpu.memory_space<hbm>>) target_semaphore(%run_scoped3A : memref<!tpu.dma_semaphore, #tpu.memory_space<semaphore_mem>>)
      %dma_wait3A = arith.constant 0 : i32
      %dma_wait3A_343 = tpu.memref_slice %arg3[%add3A, %dma_wait3A] : memref<32x64xf32, #tpu.memory_space<hbm>> -> memref<1x64xf32, #tpu.memory_space<hbm>>
      %dma_wait3A_344 = tpu.memref_squeeze %dma_wait3A_343 : memref<1x64xf32, #tpu.memory_space<hbm>> -> memref<64xf32, #tpu.memory_space<hbm>>
      %dma_wait3A_345 = arith.constant 0 : i32
      %dma_wait3A_346 = tpu.memref_slice %arg3[%add3A, %dma_wait3A_345] : memref<32x64xf32, #tpu.memory_space<hbm>> -> memref<1x64xf32, #tpu.memory_space<hbm>>
      %dma_wait3A_347 = tpu.memref_squeeze %dma_wait3A_346 : memref<1x64xf32, #tpu.memory_space<hbm>> -> memref<64xf32, #tpu.memory_space<hbm>>
      tpu.wait_dma2 semaphore(%run_scoped3A : memref<!tpu.dma_semaphore, #tpu.memory_space<semaphore_mem>>) src(%arg6 : memref<64xf32, #tpu.memory_space<vmem>>) dst(%dma_wait3A_347 : memref<64xf32, #tpu.memory_space<hbm>>)
      tpu.yield
    }) : () -> ()
    return
  }
}

module attributes {stable_mosaic.version = 14 : i64} {
  func.func @body(%arg0: i32, %arg1: i32, %arg2: memref<1x64x8192xf32, #tpu.memory_space<vmem>>, %arg3: memref<8x64xf32, #tpu.memory_space<vmem>>) attributes {dimension_semantics = [#tpu.dimension_semantics<arbitrary>, #tpu.dimension_semantics<arbitrary>], iteration_bounds = array<i64: 4, 1>, scalar_prefetch = 0 : i64, scratch_operands = 0 : i64, tpu.core_type = #tpu.core_type<tc>, window_params = [{transform_indices = @transform_0, window_bounds = array<i64: 1, 64, 8192>}, {transform_indices = @transform_1, window_bounds = array<i64: 8, 64>}]} {
    %eq3A = arith.constant 0 : i32
    %eq3A_0 = arith.cmpi eq, %arg1, %eq3A : i32
    %convert_element_type3A = arith.extui %eq3A_0 : i1 to i32
    %cond3A = arith.constant 0 : i32
    %cond3A_1 = arith.cmpi ne, %convert_element_type3A, %cond3A : i32
    scf.if %cond3A_1 {
      %broadcast_in_dim3A_38 = arith.constant 0.000000e+00 : f32
      %broadcast_in_dim3A_39 = vector.broadcast %broadcast_in_dim3A_38 : f32 to vector<8x64xf32>
      %swap3A_40 = arith.constant 0 : index
      %swap3A_41 = arith.constant 0 : index
      %swap3A_42 = vector.load %arg3[%swap3A_40, %swap3A_41] : memref<8x64xf32, #tpu.memory_space<vmem>>, vector<8x64xf32>
      tpu.vector_store %arg3[%swap3A_40, %swap3A_41], %broadcast_in_dim3A_39 {strides = array<i32>} : memref<8x64xf32, #tpu.memory_space<vmem>>, vector<8x64xf32>,
    } else {
    }
    %get3A = arith.constant 0 : index
    %get3A_2 = arith.constant 0 : index
    %get3A_3 = arith.constant 0 : index
    %get3A_4 = vector.load %arg2[%get3A, %get3A_2, %get3A_3] : memref<1x64x8192xf32, #tpu.memory_space<vmem>>, vector<1x64x8192xf32>
    %get3A_5 = vector.shape_cast %get3A_4 : vector<1x64x8192xf32> to vector<64x8192xf32>
    %exp3A = math.exp %get3A_5 : vector<64x8192xf32>
    %broadcast_in_dim3A = arith.constant 1.000000e+00 : f32
    %broadcast_in_dim3A_6 = vector.broadcast %broadcast_in_dim3A : f32 to vector<8x64xf32>
    %dot_general3A = arith.constant dense<0.000000e+00> : vector<8x8192xf32>
    %dot_general3A_7 = tpu.matmul %broadcast_in_dim3A_6, %exp3A, %dot_general3A {dimension_numbers = #tpu.dot_dimension_numbers<[1], [0], [0], [1], [0, 0, 1, 1], [], []>, transpose_lhs_hint = false} : vector<8x64xf32>, vector<64x8192xf32>, vector<8x8192xf32> -> vector<8x8192xf32>
    %log3A = math.log %dot_general3A_7 : vector<8x8192xf32>
    %mul3A = arith.mulf %log3A, %log3A : vector<8x8192xf32>
    %slice3A = vector.extract_strided_slice %dot_general3A_7 {offsets = [0, 0], sizes = [1, 8192], strides = [1, 1]} : vector<8x8192xf32> to vector<1x8192xf32>
    %div3A = arith.constant 1.000000e+00 : f32
    %div3A_8 = vector.broadcast %div3A : f32 to vector<1x8192xf32>
    %div3A_9 = arith.divf %div3A_8, %slice3A : vector<1x8192xf32>
    %broadcast_in_dim3A_10 = vector.shape_cast %div3A_9 : vector<1x8192xf32> to vector<1x8192xf32>
    %broadcast_in_dim3A_11 = vector.broadcast %broadcast_in_dim3A_10 : vector<1x8192xf32> to vector<64x8192xf32>
    %mul3A_12 = arith.mulf %exp3A, %broadcast_in_dim3A_11 : vector<64x8192xf32>
    %reduce_sum3A = arith.constant dense<0.000000e+00> : vector<64xf32>
    %reduce_sum3A_13 = vector.multi_reduction <add>, %mul3A_12, %reduce_sum3A [1] : vector<64x8192xf32> to vector<64xf32>
    %slice3A_14 = vector.extract_strided_slice %mul3A {offsets = [0, 0], sizes = [1, 8192], strides = [1, 1]} : vector<8x8192xf32> to vector<1x8192xf32>
    %reduce_sum3A_15 = arith.constant dense<0.000000e+00> : vector<1xf32>
    %reduce_sum3A_16 = vector.multi_reduction <add>, %slice3A_14, %reduce_sum3A_15 [1] : vector<1x8192xf32> to vector<1xf32>
    %iota3A = tpu.iota {dimensions = array<i32: 0>} : vector<8x64xi32>
    %broadcast_in_dim3A_17 = vector.shape_cast %reduce_sum3A_13 : vector<64xf32> to vector<1x64xf32>
    %broadcast_in_dim3A_18 = vector.shape_cast %broadcast_in_dim3A_17 : vector<1x64xf32> to vector<1x64xf32>
    %broadcast_in_dim3A_19 = vector.broadcast %broadcast_in_dim3A_18 : vector<1x64xf32> to vector<8x64xf32>
    %broadcast_in_dim3A_20 = vector.shape_cast %reduce_sum3A_16 : vector<1xf32> to vector<1xf32>
    %broadcast_in_dim3A_21 = vector.broadcast %broadcast_in_dim3A_20 : vector<1xf32> to vector<64xf32>
    %broadcast_in_dim3A_22 = vector.shape_cast %broadcast_in_dim3A_21 : vector<64xf32> to vector<1x64xf32>
    %broadcast_in_dim3A_23 = vector.shape_cast %broadcast_in_dim3A_22 : vector<1x64xf32> to vector<1x64xf32>
    %broadcast_in_dim3A_24 = vector.broadcast %broadcast_in_dim3A_23 : vector<1x64xf32> to vector<8x64xf32>
    %get3A_25 = arith.constant 0 : index
    %get3A_26 = arith.constant 0 : index
    %get3A_27 = vector.load %arg3[%get3A_25, %get3A_26] : memref<8x64xf32, #tpu.memory_space<vmem>>, vector<8x64xf32>
    %eq3A_28 = arith.constant 0 : i32
    %eq3A_29 = vector.broadcast %eq3A_28 : i32 to vector<8x64xi32>
    %eq3A_30 = arith.cmpi eq, %iota3A, %eq3A_29 : vector<8x64xi32>
    %eq3A_31 = arith.constant 1 : i32
    %eq3A_32 = vector.broadcast %eq3A_31 : i32 to vector<8x64xi32>
    %eq3A_33 = arith.cmpi eq, %iota3A, %eq3A_32 : vector<8x64xi32>
    %jit3A = arith.constant 0.000000e+00 : f32
    %broadcast_in_dim3A_34 = vector.broadcast %jit3A : f32 to vector<8x64xf32>
    %select_n3A = arith.select %eq3A_33, %broadcast_in_dim3A_24, %broadcast_in_dim3A_34 : vector<8x64xi1>, vector<8x64xf32>
    %select_n3A_35 = arith.select %eq3A_30, %broadcast_in_dim3A_19, %select_n3A : vector<8x64xi1>, vector<8x64xf32>
    %add3A = arith.addf %get3A_27, %select_n3A_35 : vector<8x64xf32>
    %swap3A = arith.constant 0 : index
    %swap3A_36 = arith.constant 0 : index
    %swap3A_37 = vector.load %arg3[%swap3A, %swap3A_36] : memref<8x64xf32, #tpu.memory_space<vmem>>, vector<8x64xf32>
    tpu.vector_store %arg3[%swap3A, %swap3A_36], %add3A {strides = array<i32>} : memref<8x64xf32, #tpu.memory_space<vmem>>, vector<8x64xf32>,
    return
  }
  func.func @transform_0(%arg0: i32, %arg1: i32) -> (i32, i32, i32) {
    %c0_i32 = arith.constant 0 : i32
    %c0_i32_0 = arith.constant 0 : i32
    return %arg0, %c0_i32, %arg1 : i32, i32, i32
  }
  func.func @transform_1(%arg0: i32, %arg1: i32) -> (i32, i32) {
    %c0_i32 = arith.constant 0 : i32
    %c0_i32_0 = arith.constant 0 : i32
    return %arg0, %c0_i32 : i32, i32
  }
}

module attributes {stable_mosaic.version = 14 : i64} {
  func.func @body(%arg0: i32, %arg1: memref<32x64xf32, #tpu.memory_space<vmem>>, %arg2: memref<32x64xf32, #tpu.memory_space<vmem>>, %arg3: memref<1x128xf32, #tpu.memory_space<vmem>>) attributes {dimension_semantics = [#tpu.dimension_semantics<arbitrary>], iteration_bounds = array<i64: 1>, scalar_prefetch = 0 : i64, scratch_operands = 0 : i64, tpu.core_type = #tpu.core_type<tc>, window_params = [{pipeline_mode = #tpu.pipeline_mode<synchronous>, transform_indices = @transform_0, window_bounds = array<i64: 32, 64>}, {pipeline_mode = #tpu.pipeline_mode<synchronous>, transform_indices = @transform_1, window_bounds = array<i64: 32, 64>}, {pipeline_mode = #tpu.pipeline_mode<synchronous>, transform_indices = @transform_2, window_bounds = array<i64: 1, 128>}]} {
    %broadcast_in_dim3A = arith.constant 0.000000e+00 : f32
    %broadcast_in_dim3A_0 = vector.broadcast %broadcast_in_dim3A : f32 to vector<1x64xf32>
    %broadcast_in_dim3A_1 = arith.constant 0.000000e+00 : f32
    %broadcast_in_dim3A_2 = vector.broadcast %broadcast_in_dim3A_1 : f32 to vector<1x64xf32>
    %get3A = arith.constant 0 : index
    %get3A_3 = arith.constant 0 : index
    %get3A_4 = vector.load %arg1[%get3A, %get3A_3] : memref<32x64xf32, #tpu.memory_space<vmem>>, vector<8x64xf32>
    %reduce_sum3A = arith.constant dense<0.000000e+00> : vector<64xf32>
    %reduce_sum3A_5 = vector.multi_reduction <add>, %get3A_4, %reduce_sum3A [0] : vector<8x64xf32> to vector<64xf32>
    %broadcast_in_dim3A_6 = vector.shape_cast %reduce_sum3A_5 : vector<64xf32> to vector<1x64xf32>
    %get3A_7 = arith.constant 0 : index
    %get3A_8 = arith.constant 0 : index
    %get3A_9 = vector.load %arg2[%get3A_7, %get3A_8] : memref<32x64xf32, #tpu.memory_space<vmem>>, vector<1x64xf32>
    %mul3A = arith.mulf %broadcast_in_dim3A_6, %get3A_9 : vector<1x64xf32>
    %add3A = arith.addf %broadcast_in_dim3A_0, %mul3A : vector<1x64xf32>
    %get3A_10 = arith.constant 1 : index
    %get3A_11 = arith.constant 0 : index
    %get3A_12 = vector.load %arg2[%get3A_10, %get3A_11] : memref<32x64xf32, #tpu.memory_space<vmem>>, vector<1x64xf32>
    %add3A_13 = arith.addf %broadcast_in_dim3A_2, %get3A_12 : vector<1x64xf32>
    %get3A_14 = arith.constant 8 : index
    %get3A_15 = arith.constant 0 : index
    %get3A_16 = vector.load %arg1[%get3A_14, %get3A_15] : memref<32x64xf32, #tpu.memory_space<vmem>>, vector<8x64xf32>
    %reduce_sum3A_17 = arith.constant dense<0.000000e+00> : vector<64xf32>
    %reduce_sum3A_18 = vector.multi_reduction <add>, %get3A_16, %reduce_sum3A_17 [0] : vector<8x64xf32> to vector<64xf32>
    %broadcast_in_dim3A_19 = vector.shape_cast %reduce_sum3A_18 : vector<64xf32> to vector<1x64xf32>
    %get3A_20 = arith.constant 8 : index
    %get3A_21 = arith.constant 0 : index
    %get3A_22 = vector.load %arg2[%get3A_20, %get3A_21] : memref<32x64xf32, #tpu.memory_space<vmem>>, vector<1x64xf32>
    %mul3A_23 = arith.mulf %broadcast_in_dim3A_19, %get3A_22 : vector<1x64xf32>
    %add3A_24 = arith.addf %add3A, %mul3A_23 : vector<1x64xf32>
    %get3A_25 = arith.constant 9 : index
    %get3A_26 = arith.constant 0 : index
    %get3A_27 = vector.load %arg2[%get3A_25, %get3A_26] : memref<32x64xf32, #tpu.memory_space<vmem>>, vector<1x64xf32>
    %add3A_28 = arith.addf %add3A_13, %get3A_27 : vector<1x64xf32>
    %get3A_29 = arith.constant 16 : index
    %get3A_30 = arith.constant 0 : index
    %get3A_31 = vector.load %arg1[%get3A_29, %get3A_30] : memref<32x64xf32, #tpu.memory_space<vmem>>, vector<8x64xf32>
    %reduce_sum3A_32 = arith.constant dense<0.000000e+00> : vector<64xf32>
    %reduce_sum3A_33 = vector.multi_reduction <add>, %get3A_31, %reduce_sum3A_32 [0] : vector<8x64xf32> to vector<64xf32>
    %broadcast_in_dim3A_34 = vector.shape_cast %reduce_sum3A_33 : vector<64xf32> to vector<1x64xf32>
    %get3A_35 = arith.constant 16 : index
    %get3A_36 = arith.constant 0 : index
    %get3A_37 = vector.load %arg2[%get3A_35, %get3A_36] : memref<32x64xf32, #tpu.memory_space<vmem>>, vector<1x64xf32>
    %mul3A_38 = arith.mulf %broadcast_in_dim3A_34, %get3A_37 : vector<1x64xf32>
    %add3A_39 = arith.addf %add3A_24, %mul3A_38 : vector<1x64xf32>
    %get3A_40 = arith.constant 17 : index
    %get3A_41 = arith.constant 0 : index
    %get3A_42 = vector.load %arg2[%get3A_40, %get3A_41] : memref<32x64xf32, #tpu.memory_space<vmem>>, vector<1x64xf32>
    %add3A_43 = arith.addf %add3A_28, %get3A_42 : vector<1x64xf32>
    %get3A_44 = arith.constant 24 : index
    %get3A_45 = arith.constant 0 : index
    %get3A_46 = vector.load %arg1[%get3A_44, %get3A_45] : memref<32x64xf32, #tpu.memory_space<vmem>>, vector<8x64xf32>
    %reduce_sum3A_47 = arith.constant dense<0.000000e+00> : vector<64xf32>
    %reduce_sum3A_48 = vector.multi_reduction <add>, %get3A_46, %reduce_sum3A_47 [0] : vector<8x64xf32> to vector<64xf32>
    %broadcast_in_dim3A_49 = vector.shape_cast %reduce_sum3A_48 : vector<64xf32> to vector<1x64xf32>
    %get3A_50 = arith.constant 24 : index
    %get3A_51 = arith.constant 0 : index
    %get3A_52 = vector.load %arg2[%get3A_50, %get3A_51] : memref<32x64xf32, #tpu.memory_space<vmem>>, vector<1x64xf32>
    %mul3A_53 = arith.mulf %broadcast_in_dim3A_49, %get3A_52 : vector<1x64xf32>
    %add3A_54 = arith.addf %add3A_39, %mul3A_53 : vector<1x64xf32>
    %get3A_55 = arith.constant 25 : index
    %get3A_56 = arith.constant 0 : index
    %get3A_57 = vector.load %arg2[%get3A_55, %get3A_56] : memref<32x64xf32, #tpu.memory_space<vmem>>, vector<1x64xf32>
    %add3A_58 = arith.addf %add3A_43, %get3A_57 : vector<1x64xf32>
    %reduce_sum3A_59 = arith.constant dense<0.000000e+00> : vector<1xf32>
    %reduce_sum3A_60 = vector.multi_reduction <add>, %add3A_54, %reduce_sum3A_59 [1] : vector<1x64xf32> to vector<1xf32>
    %broadcast_in_dim3A_61 = vector.shape_cast %reduce_sum3A_60 : vector<1xf32> to vector<1x1xf32>
    %slice3A = vector.extract_strided_slice %add3A_58 {offsets = [0, 0], sizes = [1, 1], strides = [1, 1]} : vector<1x64xf32> to vector<1x1xf32>
    %mul3A_62 = arith.constant 3.05175796E-8 : f32
    %mul3A_63 = vector.broadcast %mul3A_62 : f32 to vector<1x1xf32>
    %mul3A_64 = arith.mulf %slice3A, %mul3A_63 : vector<1x1xf32>
    %mul3A_65 = arith.constant 2.38418574E-9 : f32
    %mul3A_66 = vector.broadcast %mul3A_65 : f32 to vector<1x1xf32>
    %mul3A_67 = arith.mulf %broadcast_in_dim3A_61, %mul3A_66 : vector<1x1xf32>
    %add3A_68 = arith.addf %mul3A_64, %mul3A_67 : vector<1x1xf32>
    %broadcast_in_dim3A_69 = vector.shape_cast %add3A_68 : vector<1x1xf32> to vector<1x1xf32>
    %broadcast_in_dim3A_70 = vector.broadcast %broadcast_in_dim3A_69 : vector<1x1xf32> to vector<1x128xf32>
    %swap3A = arith.constant 0 : index
    %swap3A_71 = arith.constant 0 : index
    %swap3A_72 = vector.load %arg3[%swap3A, %swap3A_71] : memref<1x128xf32, #tpu.memory_space<vmem>>, vector<1x128xf32>
    tpu.vector_store %arg3[%swap3A, %swap3A_71], %broadcast_in_dim3A_70 {strides = array<i32>} : memref<1x128xf32, #tpu.memory_space<vmem>>, vector<1x128xf32>,
    return
  }
  func.func @transform_0(%arg0: i32) -> (i32, i32) {
    %c0_i32 = arith.constant 0 : i32
    %c0_i32_0 = arith.constant 0 : i32
    %c0_i32_1 = arith.constant 0 : i32
    return %c0_i32, %c0_i32_0 : i32, i32
  }
  func.func @transform_1(%arg0: i32) -> (i32, i32) {
    %c0_i32 = arith.constant 0 : i32
    %c0_i32_0 = arith.constant 0 : i32
    %c0_i32_1 = arith.constant 0 : i32
    return %c0_i32, %c0_i32_0 : i32, i32
  }
  func.func @transform_2(%arg0: i32) -> (i32, i32) {
    %c0_i32 = arith.constant 0 : i32
    %c0_i32_0 = arith.constant 0 : i32
    %c0_i32_1 = arith.constant 0 : i32
    return %c0_i32, %c0_i32_0 : i32, i32
  }
}

</mosaic_0001>

<sc_bundles>
// kernel: kernel.5.cloned.1.call-start
scs
__scs_entry_jumppad:
0x0: {  	(pc) =	sbr.rel $0x88, $3  }
0x1: {  	(tag) =	ssettag $0x0;
	lr =	simm.s32 $0x1  }
0x2: {  	[smem:$0x3F9F] =	sst lr;
	_ =	strace $0xD0000000  }
0x3: {  	_ = 	snop  }
0x4: {  	_ = 	snop  }
0x5: {  	_ = 	snop  }
0x6: {  	_ = 	snop  }
0x7: {  	_ = 	snop  }
__scs_overlays_trampoline_lowered:
0x8: {  	[smem:$0x3FAE] =	sst s0  }
0x9: {  	[smem:$0x3FAF] =	sst s1  }
0xa: {  	[smem:$0x3FB0] =	sst s2  }
0xb: {  	[smem:$0x3FB1] =	sst s3  }
0xc: {  	[smem:$0x3FB2] =	sst s4  }
0xd: {  	[smem:$0x3FB3] =	sst s5  }
0xe: {  	[smem:$0x3FB4] =	sst s6  }
0xf: {  	[smem:$0x3FB5] =	sst s7  }
0x10: {  	[smem:$0x3FB6] =	sst s8  }
0x11: {  	[smem:$0x3FB7] =	sst s9;
	s0 =	simm.s32 @!p0 $0x0  }
0x12: {  	s1 =	sld [smem:$0x3F9D];
	s0 =	simm.s32 @p0 $0x1  }
0x13: {  	[smem:$0x3FB8] =	sst s0;
	s0 =	simm.s32 @!p1 $0x0  }
0x14: {  	s2 =	sld [smem:$0x3F9C];
	s0 =	simm.s32 @p1 $0x1  }
0x15: {  	[smem:$0x3FB9] =	sst s0;
	s0 =	simm.s32 @!p2 $0x0  }
0x16: {  	s3 =	sld [smem:$0x3FDB];
	s0 =	simm.s32 @p2 $0x1  }
0x17: {  	s4 =	simm.s32 $0x1BF5;
	[smem:$0x3FBB] =	sst s0  }
0x18: {  	s0 =	sld [smem:$0x3F9E];
	_ =	swait.ge [sflag:s4], $0x0  }
0x19: {  	s7 =	sld [smem:$0x3F9F]  }
0x1a: {  	s8 =	sadd.s32 $0xFFFFE003, lr  }
0x1b: {  	s9 =	sadd.s32 $0xFFFFFEF7, lr;
	s5 =	simm.s32 $0xFFFFFFFF;
	p2 =	slt.u32 s8, $0xFFFFF086  }
0x1c: {  	p1 =	slt.u32 s9, $0xF7A;
	s5 =	simm.s32 @!p2 $0x0  }
0x1d: {  	s5 =	simm.s32 @p1 $0x1;
	p0 =	seq.s32 s7, s2  }
0x1e: {  	s7 =	smul.u32 @!p0 $0xF7A, s2;
	p2 =	seq.s32 @!p0 s5, $0x0  }
0x1f: {  	s9 =	smul.u32 $0xF7A, s1;
	s8 =	simm.s32 @!p0 $0x1BF5;
	p2 =	por !p2, p0  }
0x20: {  	[sflag:s8] =	ssyncset.s32 @!p0 $0xFFFFF086;
	s6 =	sadd.s32 @!p0 s3, s7;
	s7 =	simm.s32 @!p0 $0x108  }
0x21: {  	s3 =	sadd.s32 s3, s9;
	s6 =	sadd.s32 @!p0 $0x88, s6;
	s7 =	simm.s32 @p2 $0x1082  }
0x22: {  	[simem:s7], [sflag:s8] =	dma.local @!p0 [hbm:s6], $0xF7A  }
0x23: {  	s9 =	sor.u32 $0xD0000000, s2;
	s6 =	simm.s32 $0x108;
	_ =	swait.ge @!p0 [sflag:s8], $0x0  }
0x24: {  	s3 =	sadd.s32 $0x88, s3;
	s6 =	simm.s32 @!p1 $0x1082;
	[sflag:s4] =	ssyncset.s32 $0xFFFFF086  }
0x25: {  	[simem:s6], [sflag:s4] =	dma.local [hbm:s3], $0xF7A  }
0x26: {  	[smem:$0x3F9F] =	sst s1;
	(tag) =	ssettag s2;
	_ =	strace s9  }
0x27: {  	s1 =	sld [smem:$0x3FAF]  }
0x28: {  	s2 =	sld [smem:$0x3FB0]  }
0x29: {  	s4 =	sld [smem:$0x3FB2]  }
0x2a: {  	p0 =	seq.s32 s5, $0x0;
	s5 =	sld [smem:$0x3FB3]  }
0x2b: {  	s6 =	sld [smem:$0x3FB4]  }
0x2c: {  	s7 =	sld [smem:$0x3FB5]  }
0x2d: {  	s3 =	simm.s32 $0x108;
	s8 =	sld [smem:$0x3FB6]  }
0x2e: {  	s3 =	simm.s32 @!p0 $0x1082;
	s9 =	sld [smem:$0x3FB7]  }
0x2f: {  	lr =	sadd.s32 s0, s3;
	s0 =	sld [smem:$0x3FAE]  }
0x30: {  	s3 =	sld [smem:$0x3FB1]  }
0x31: {  	[smem:$0x3FBA] =	sst s10  }
0x32: {  	s10 =	sld [smem:$0x3FB8];
	_ =	sdelay $0x3  }
0x33: {  	p0 =	seq.s32 s10, $0x1;
	s10 =	sld [smem:$0x3FBA];
	_ =	sdelay $0x3  }
0x34: {  	[smem:$0x3FBA] =	sst s10  }
0x35: {  	s10 =	sld [smem:$0x3FB9];
	_ =	sdelay $0x3  }
0x36: {  	p1 =	seq.s32 s10, $0x1;
	s10 =	sld [smem:$0x3FBA];
	_ =	sdelay $0x3  }
0x37: {  	[smem:$0x3FBA] =	sst s10  }
0x38: {  	s10 =	sld [smem:$0x3FBB]  }
0x39: {  	_ = 	snop;
	(pc) =	sbr.ind lr, $3  }
0x3a: {  	_ = 	snop  }
0x3b: {  	_ = 	snop  }
0x3c: {  	p2 =	seq.s32 s10, $0x1;
	s10 =	sld [smem:$0x3FBA]  }
0x3d: {  	_ =	shalt  }
0x3e: {  	_ =	shalt  }
0x3f: {  	_ =	shalt  }
0x40: {  	_ =	shalt  }
0x41: {  	_ =	shalt  }
0x42: {  	_ =	shalt  }
0x43: {  	_ =	shalt  }
0x44: {  	_ =	shalt  }
0x45: {  	_ =	shalt  }
0x46: {  	_ =	shalt  }
0x47: {  	_ =	shalt  }
0x48: {  	_ =	shalt  }
0x49: {  	_ =	shalt  }
0x4a: {  	_ =	shalt  }
0x4b: {  	_ =	shalt  }
0x4c: {  	_ =	shalt  }
0x4d: {  	_ =	shalt  }
0x4e: {  	_ =	shalt  }
0x4f: {  	_ =	shalt  }
0x50: {  	_ =	shalt  }
0x51: {  	_ =	shalt  }
0x52: {  	_ =	shalt  }
0x53: {  	_ =	shalt  }
0x54: {  	_ =	shalt  }
0x55: {  	_ =	shalt  }
0x56: {  	_ =	shalt  }
0x57: {  	_ =	shalt  }
0x58: {  	_ =	shalt  }
0x59: {  	_ =	shalt  }
0x5a: {  	_ =	shalt  }
0x5b: {  	_ =	shalt  }
0x5c: {  	_ =	shalt  }
0x5d: {  	_ =	shalt  }
0x5e: {  	_ =	shalt  }
0x5f: {  	_ =	shalt  }
0x60: {  	_ =	shalt  }
0x61: {  	_ =	shalt  }
0x62: {  	_ =	shalt  }
0x63: {  	_ =	shalt  }
0x64: {  	_ =	shalt  }
0x65: {  	_ =	shalt  }
0x66: {  	_ =	shalt  }
0x67: {  	_ =	shalt  }
0x68: {  	_ =	shalt  }
0x69: {  	_ =	shalt  }
0x6a: {  	_ =	shalt  }
0x6b: {  	_ =	shalt  }
0x6c: {  	_ =	shalt  }
0x6d: {  	_ =	shalt  }
0x6e: {  	_ =	shalt  }
0x6f: {  	_ =	shalt  }
0x70: {  	_ =	shalt  }
0x71: {  	_ =	shalt  }
0x72: {  	_ =	shalt  }
0x73: {  	_ =	shalt  }
0x74: {  	_ =	shalt  }
0x75: {  	_ =	shalt  }
0x76: {  	_ =	shalt  }
0x77: {  	_ =	shalt  }
0x78: {  	_ =	shalt  }
0x79: {  	_ =	shalt  }
0x7a: {  	_ =	shalt  }
0x7b: {  	_ =	shalt  }
0x7c: {  	_ =	shalt  }
0x7d: {  	_ =	shalt  }
0x7e: {  	_ =	shalt  }
0x7f: {  	_ =	shalt  }
0x80: {  	_ =	shalt  }
0x81: {  	_ =	shalt  }
0x82: {  	_ =	shalt  }
0x83: {  	_ =	shalt  }
0x84: {  	_ =	shalt  }
0x85: {  	_ =	shalt  }
0x86: {  	_ =	shalt  }
0x87: {  	_ =	shalt  }
.Lfunc_end0:
.L_simem_size_0:
called_computation_lowered:
.L_overlay_start_0:
0x88: {  	s2 =	sld [smem:$0x3FD9]  }
0x89: {  	s3 =	sld [smem:$0x3FFE];
	_ =	sdelay $0x1  }
0x8a: {  	s1 =	srdreg.scid  }
0x8b: {  	s0 =	sand.u32 $0x1, s1  }
0x8c: {  	s17 =	sshll.u32 s0, $0xA;
	s2 =	sadd.s32 s3, s2  }
0x8d: {  	s2 =	sadd.s32 s2, s17  }
0x8e: {  	[smem:$0x3FC6] =	sst s2  }
0x8f: {  	_ = 	snop  }
0x90: {  	s2 =	sld [smem:$0x3FC8];
	(tm) =	ssettm $0x1  }
0x91: {  	s18 =	sld [smem:$0x3FFB];
	_ =	sdelay $0x3  }
0x92: {  	_ =	strace s18  }
0x93: {  	s3 =	sld [smem:$0x3FFC];
	_ =	sdelay $0x3  }
0x94: {  	_ =	strace s3  }
0x95: {  	s3 =	sld [smem:$0x3FFD];
	_ =	sdelay $0x3  }
0x96: {  	_ =	strace s3  }
0x97: {  	_ =	strace $0x8FFFFFFF  }
0x98: {  	s19 =	sld [smem:$0x3FDB];
	_ =	sdelay $0x1  }
0x99: {  	s4 =	simm.s32 $_scs_section_size  }
0x9a: {  	s5 =	simm.s32 $_size__tile_overlayer_lowered;
	s6 =	simm.s32 $_tile_overlayer_lowered  }
0x9b: {  	s22 =	simm.s32 $0x1BFF;
	s21 =	sshll.u32 s6, $0x1;
	s3 =	sadd.s32 s4, s19  }
0x9c: {  	s7 =	simm.s32 $0x0;
	s20 =	sshll.u32 s5, $0x1;
	s5 =	sadd.s32 s21, s3  }
0x9d: {  	[timem:s7], [sflag:s22] =	dma.local [hbm:s5], s20  }
0x9e: {  	_ =	swait.ge [sflag:s22], s20  }
0x9f: {  	s4 =	ssub.s32 $0x0, s20;
	[sflag:s22] =	ssyncset.done $0x0  }
0xa0: {  	[sflag:s22] =	ssyncadd.s32 s4;
	_ =	sdelay $0x1  }
0xa1: {  	s23 =	simm.s32 $0x1B8B  }
0xa2: {  	_ =	swait.ge [sflag:s23], $0x1  }
0xa3: {  	[sflag:s23] =	ssyncset.done $0x0  }
0xa4: {  	s25 =	simm.s32 $0x1B8E;
	s24 =	sld [smem:$0x3FFE];
	[sflag:s23] =	ssyncadd.s32 $0xFFFFFFFF  }
0xa5: {  	s26 =	simm.s32 $execute0_lowered;
	[smem:$0x3FD2] =	sst s25  }
0xa6: {  	s5 =	sshll.u32 s26, $0x1;
	_ =	strace $0x80000046;
	[dreg:$0x1] =	wrdreg $0xFFFFFFFF  }
0xa7: {  	s28 =	simm.s32 $_size_execute0_lowered;
	s3 =	sadd.s32 s3, s5;
	[dreg:$0x0] =	wrdreg $0x0  }
0xa8: {  	s5 =	sshll.u32 s28, $0x1;
	[dreg:$0x2] =	wrdreg s3  }
0xa9: {  	[dreg:$0x3] =	wrdreg s5  }
0xaa: {  	[dreg:$0x4] =	wrdreg $0xC0  }
0xab: {  	_ =	task [dreg:s7], $0x5FFFF  }
0xac: {  	[dreg:$0x1] =	wrdreg $0xFFFFFFFF  }
0xad: {  	[dreg:$0x0] =	wrdreg $0x60  }
0xae: {  	[dreg:$0x2] =	wrdreg s2  }
0xaf: {  	[dreg:$0x3] =	wrdreg s24  }
0xb0: {  	[dreg:$0x4] =	wrdreg $0x9  }
0xb1: {  	_ =	task.clear_ibuf [dreg:s7], $0x5FFFF;
	_ =	strace $0x90000046  }
0xb2: {  	s29 =	simm.s32 $0x9;
	_ =	strace $0x80000048  }
0xb3: {  	_ =	swait.ge [sflag:s29], $0x1  }
0xb4: {  	[sflag:s29] =	ssyncadd.s32 $0xFFFFFFFF  }
0xb5: {  	_ =	strace $0x90000048  }
0xb6: {  	_ =	sfence  }
0xb7: {  	s30 =	sld [smem:$0x0];
	_ =	sdelay $0x2  }
0xb8: {  	s31 =	sshll.u32 s1, $0xD;
	s1 =	sshrl.u32 s1, $0x2  }
0xb9: {  	s3 =	sand.u32 $0x4000, s31;
	s1 =	sadd.s32 s1, s30  }
0xba: {  	s0 =	sor.u32 s3, s0;
	s1 =	sshll.u32 s1, $0x11  }
0xbb: {  	s0 =	sor.u32 s1, s0  }
0xbc: {  	s0 =	sadd.s32 $0x8F2B, s0  }
0xbd: {  	[sflag:s0] =	ssyncadd.remote.s32 $0x1  }
0xbe: {  	_ =	sfence.sel $0xFFFF  }
0xbf: {  	[dreg:$0x0] =	wrdreg $0xFFFFFFFF;
	(pc) =	sbr.abs _section_cstart, $3  }
0xc0: {  	[dreg:$0x1] =	wrdreg $0xFFFFFFFF  }
0xc1: {  	_ =	task.clear_ibuf [dreg:s7], $0x2FFFF;
	_ =	strace $0x9FFFFFFF  }
0xc2: {  	(tm) =	ssettm $0x7FFFFFFF  }
0xc3: {  	_ =	shalt  }
tec
execute0_lowered:
.L_overlay_start_1:
0x0: {  	(tag) =	ssettag $0x1  }
0x1: {  	s3 =	rddreg [dreg:$0x0]  }
0x2: {  	s4 =	rddreg [dreg:$0x1]  }
0x3: {  	s0 =	rddreg [dreg:$0x2]  }
0x4: {  	s2 =	simm.s32 $0x0;
	s5 =	srdreg.scid;
	s1 =	stileid.u32  }
0x5: {  	s9 =	simm.s32 $0x0;
	s5 =	sand.u32 $0x1, s5;
	s6 =	sshll.u32 s1, $0x1  }
0x6: {  	[smem:$0x7FF] =	sst s2;
	s6 =	sor.u32 s5, s6;
	s5 =	ssub.s32 $0x2, s5  }
0x7: {  	_ =	strace $0x80000047;
	s7 =	sshll.u32 s6, $0x4;
	s8 =	sshrl.u32 s5, $0x1  }
0x8: {  	s6 =	sshll.u32 s6, $0x8;
	s4 =	sadd.s32 s7, s4;
	s5 =	ssub.s32 s5, s8  }
0x9: {  	v1 =	vlaneseq.u32;
	s3 =	sadd.s32 s3, s6;
	s6 =	simm.s32 $0x1;
	s7 =	simm.s32 $0x800  }
0xa: {  	v0 =	vimm.f32 $0.0e+00;
	v2 =	vimm.f32 $1.000000000e+00;
	v1 =	vmul.u32 $0x40, v1;
	s8 =	simm.s32 $0xC00;
	s4 =	sadd.s32 $0x800, s4;
	s5 =	smax.u32 s5, $0x1  }
.LBB2_1:
0xb: {  	[tilespmem:s2], [sflag:$0x1] =	stream.linear.gather [hbm4b:s3+s2], $0x800, $0x38;
	[tilespmem:$0xC80] =	vst v63  }
0xc: {  	_ =	swait.ge [sflag:s6], $0x800  }
0xd: {  	[sflag:s6] =	ssyncset.done $0x0  }
0xe: {  	[sflag:s6] =	ssyncadd.s32 $0xFFFFF800  }
0xf: {  	[tilespmem:$0x800] =	vst v0  }
0x10: {  	[tilespmem:$0x810] =	vst v0  }
0x11: {  	[tilespmem:$0x820] =	vst v0  }
0x12: {  	[tilespmem:$0x830] =	vst v0  }
0x13: {  	[tilespmem:$0x840] =	vst v0  }
0x14: {  	[tilespmem:$0x850] =	vst v0  }
0x15: {  	[tilespmem:$0x860] =	vst v0  }
0x16: {  	[tilespmem:$0x870] =	vst v0  }
0x17: {  	[tilespmem:$0x880] =	vst v0  }
0x18: {  	[tilespmem:$0x890] =	vst v0  }
0x19: {  	[tilespmem:$0x8A0] =	vst v0  }
0x1a: {  	[tilespmem:$0x8B0] =	vst v0  }
0x1b: {  	[tilespmem:$0x8C0] =	vst v0  }
0x1c: {  	[tilespmem:$0x8D0] =	vst v0  }
0x1d: {  	[tilespmem:$0x8E0] =	vst v0  }
0x1e: {  	[tilespmem:$0x8F0] =	vst v0  }
0x1f: {  	[tilespmem:$0x900] =	vst v0  }
0x20: {  	[tilespmem:$0x910] =	vst v0  }
0x21: {  	[tilespmem:$0x920] =	vst v0  }
0x22: {  	[tilespmem:$0x930] =	vst v0  }
0x23: {  	[tilespmem:$0x940] =	vst v0  }
0x24: {  	[tilespmem:$0x950] =	vst v0  }
0x25: {  	[tilespmem:$0x960] =	vst v0  }
0x26: {  	[tilespmem:$0x970] =	vst v0  }
0x27: {  	[tilespmem:$0x980] =	vst v0  }
0x28: {  	[tilespmem:$0x990] =	vst v0  }
0x29: {  	[tilespmem:$0x9A0] =	vst v0  }
0x2a: {  	[tilespmem:$0x9B0] =	vst v0  }
0x2b: {  	[tilespmem:$0x9C0] =	vst v0  }
0x2c: {  	[tilespmem:$0x9D0] =	vst v0  }
0x2d: {  	[tilespmem:$0x9E0] =	vst v0  }
0x2e: {  	[tilespmem:$0x9F0] =	vst v0  }
0x2f: {  	[tilespmem:$0xA00] =	vst v0  }
0x30: {  	[tilespmem:$0xA10] =	vst v0  }
0x31: {  	[tilespmem:$0xA20] =	vst v0  }
0x32: {  	[tilespmem:$0xA30] =	vst v0  }
0x33: {  	[tilespmem:$0xA40] =	vst v0  }
0x34: {  	[tilespmem:$0xA50] =	vst v0  }
0x35: {  	[tilespmem:$0xA60] =	vst v0  }
0x36: {  	[tilespmem:$0xA70] =	vst v0  }
0x37: {  	[tilespmem:$0xA80] =	vst v0  }
0x38: {  	[tilespmem:$0xA90] =	vst v0  }
0x39: {  	[tilespmem:$0xAA0] =	vst v0  }
0x3a: {  	[tilespmem:$0xAB0] =	vst v0  }
0x3b: {  	[tilespmem:$0xAC0] =	vst v0  }
0x3c: {  	[tilespmem:$0xAD0] =	vst v0  }
0x3d: {  	[tilespmem:$0xAE0] =	vst v0  }
0x3e: {  	[tilespmem:$0xAF0] =	vst v0  }
0x3f: {  	[tilespmem:$0xB00] =	vst v0  }
0x40: {  	[tilespmem:$0xB10] =	vst v0  }
0x41: {  	[tilespmem:$0xB20] =	vst v0  }
0x42: {  	[tilespmem:$0xB30] =	vst v0  }
0x43: {  	[tilespmem:$0xB40] =	vst v0  }
0x44: {  	[tilespmem:$0xB50] =	vst v0  }
0x45: {  	[tilespmem:$0xB60] =	vst v0  }
0x46: {  	[tilespmem:$0xB70] =	vst v0  }
0x47: {  	[tilespmem:$0xB80] =	vst v0  }
0x48: {  	[tilespmem:$0xB90] =	vst v0  }
0x49: {  	[tilespmem:$0xBA0] =	vst v0  }
0x4a: {  	[tilespmem:$0xBB0] =	vst v0  }
0x4b: {  	[tilespmem:$0xBC0] =	vst v0  }
0x4c: {  	[tilespmem:$0xBD0] =	vst v0  }
0x4d: {  	s10 =	sand.u32 $0x700, s2;
	s11 =	sand.u32 $0x70, s2;
	[tilespmem:$0xBE0] =	vst v0  }
0x4e: {  	s12 =	sor.u32 s11, s10;
	s10 =	simm.s32 $0x20;
	s11 =	simm.s32 $0x0;
	[tilespmem:$0xBF0] =	vst v0  }
.LBB2_2:
0x4f: {  	p0 =	sne.s32 s10, $0x7E0;
	v3 =	vld [tilespmem:s12+$0x0]  }
0x50: {  	v4 =	vld [tilespmem:s12+$0x80];
	_ =	sdelay $0x4  }
0x51: {  	v5 =	vadd.s32 v1, v3;
	vm0 =	vne.s32 v4, v3  }
0x52: {  	v3 =	vadd.s32 v1, v4  }
.Ltmp0:
0x53: {  	(pc) =	sbr.rel @p0 .LBB2_2-.Ltmp0, $4  }
0x54: {  	_ = 	snop  }
0x55: {  	s11 =	sadd.s32 $0x10, s11  }
0x56: {  	s12 =	sand.u32 $0x700, s10;
	s13 =	sand.u32 $0x70, s11;
	[tilespmem:v5+s7+$0x0] =	vst.idx.add.f32.msk $0xffff, v2  }
0x57: {  	s10 =	sadd.s32 $0x20, s10;
	s12 =	sor.u32 s13, s12;
	[tilespmem:v3+s7+$0x0] =	vst.idx.add.f32.msk vm0, v2  }
0x58: {  	v3 =	vld [tilespmem:s12+$0x0]  }
0x59: {  	v4 =	vld [tilespmem:s12+$0x80];
	_ =	sdelay $0x4  }
0x5a: {  	v5 =	vadd.s32 v1, v3;
	vm0 =	vne.s32 v4, v3  }
0x5b: {  	v3 =	vadd.s32 v1, v4;
	_ =	sdelay $0x3  }
0x5c: {  	[tilespmem:v5+s7+$0x0] =	vst.idx.add.f32.msk $0xffff, v2  }
0x5d: {  	[tilespmem:v3+s7+$0x0] =	vst.idx.add.f32.msk vm0, v2  }
0x5e: {  	v3 =	vld [tilespmem:$0x800]  }
0x5f: {  	v57 =	vld [tilespmem:$0x840]  }
0x60: {  	v5 =	vld [tilespmem:$0x880]  }
0x61: {  	v6 =	vld [tilespmem:$0x8C0]  }
0x62: {  	v7 =	vld [tilespmem:$0x900]  }
0x63: {  	v8 =	vld [tilespmem:$0x940]  }
0x64: {  	v9 =	vld [tilespmem:$0x980]  }
0x65: {  	v10 =	vld [tilespmem:$0x9C0]  }
0x66: {  	v11 =	vld [tilespmem:$0xA00]  }
0x67: {  	v12 =	vld [tilespmem:$0xA40]  }
0x68: {  	v13 =	vld [tilespmem:$0xA80]  }
0x69: {  	v14 =	vld [tilespmem:$0xAC0]  }
0x6a: {  	v15 =	vld [tilespmem:$0xB00]  }
0x6b: {  	v16 =	vld [tilespmem:$0xB40]  }
0x6c: {  	v17 =	vld [tilespmem:$0xB80]  }
0x6d: {  	v18 =	vld [tilespmem:$0xBC0]  }
0x6e: {  	v19 =	vld [tilespmem:$0x810]  }
0x6f: {  	v20 =	vld [tilespmem:$0x850]  }
0x70: {  	v21 =	vld [tilespmem:$0x890]  }
0x71: {  	v22 =	vld [tilespmem:$0x8D0]  }
0x72: {  	v23 =	vld [tilespmem:$0x910]  }
0x73: {  	v24 =	vld [tilespmem:$0x950]  }
0x74: {  	v25 =	vld [tilespmem:$0x990]  }
0x75: {  	v26 =	vld [tilespmem:$0x9D0]  }
0x76: {  	v27 =	vld [tilespmem:$0xA10]  }
0x77: {  	v28 =	vld [tilespmem:$0xA50]  }
0x78: {  	v29 =	vld [tilespmem:$0xA90]  }
0x79: {  	v30 =	vld [tilespmem:$0xAD0]  }
0x7a: {  	v31 =	vld [tilespmem:$0xB10]  }
0x7b: {  	v32 =	vld [tilespmem:$0xB50]  }
0x7c: {  	v33 =	vld [tilespmem:$0xB90]  }
0x7d: {  	v35 =	vld [tilespmem:$0x820]  }
0x7e: {  	v36 =	vld [tilespmem:$0x860]  }
0x7f: {  	v37 =	vld [tilespmem:$0x830]  }
0x80: {  	v38 =	vld [tilespmem:$0x870]  }
0x81: {  	v39 =	vld [tilespmem:$0x8A0]  }
0x82: {  	v58 =	vld [tilespmem:$0x8B0]  }
0x83: {  	v34 =	vld [tilespmem:$0xBD0];
	v3 =	vadd.f32 v57, v3  }
0x84: {  	v61 =	vld [tilespmem:$0x8F0];
	v19 =	vadd.f32 v20, v19;
	v60 =	vadd.f32 v36, v35  }
0x85: {  	v59 =	vld [tilespmem:$0x8E0];
	v62 =	vadd.f32 v38, v37;
	v3 =	vadd.f32 v5, v3  }
0x86: {  	v19 =	vadd.f32 v21, v19;
	v5 =	vadd.f32 v39, v60;
	v39 =	vld [tilespmem:$0x930]  }
0x87: {  	v63 =	vld [tilespmem:$0x920];
	v4 =	vadd.f32 v58, v62;
	v3 =	vadd.f32 v6, v3  }
0x88: {  	v41 =	vld [tilespmem:$0x970];
	v19 =	vadd.f32 v22, v19  }
0x89: {  	v40 =	vld [tilespmem:$0x960];
	v4 =	vadd.f32 v61, v4;
	v3 =	vadd.f32 v7, v3  }
0x8a: {  	v43 =	vld [tilespmem:$0x9B0];
	v5 =	vadd.f32 v59, v5;
	v19 =	vadd.f32 v23, v19  }
0x8b: {  	v42 =	vld [tilespmem:$0x9A0];
	v4 =	vadd.f32 v39, v4;
	v3 =	vadd.f32 v8, v3  }
0x8c: {  	v45 =	vld [tilespmem:$0x9F0];
	v5 =	vadd.f32 v63, v5;
	v19 =	vadd.f32 v24, v19  }
0x8d: {  	v44 =	vld [tilespmem:$0x9E0];
	v4 =	vadd.f32 v41, v4;
	v3 =	vadd.f32 v9, v3  }
0x8e: {  	v47 =	vld [tilespmem:$0xA30];
	v5 =	vadd.f32 v40, v5;
	v19 =	vadd.f32 v25, v19  }
0x8f: {  	v46 =	vld [tilespmem:$0xA20];
	v4 =	vadd.f32 v43, v4;
	v3 =	vadd.f32 v10, v3  }
0x90: {  	v49 =	vld [tilespmem:$0xA70];
	v5 =	vadd.f32 v42, v5;
	v19 =	vadd.f32 v26, v19  }
0x91: {  	v48 =	vld [tilespmem:$0xA60];
	v4 =	vadd.f32 v45, v4;
	v3 =	vadd.f32 v11, v3  }
0x92: {  	v52 =	vld [tilespmem:$0xAB0];
	v5 =	vadd.f32 v44, v5;
	v50 =	vadd.f32 v27, v19  }
0x93: {  	v51 =	vld [tilespmem:$0xAA0];
	v4 =	vadd.f32 v47, v4;
	v3 =	vadd.f32 v12, v3  }
0x94: {  	v54 =	vld [tilespmem:$0xAF0];
	v5 =	vadd.f32 v46, v5;
	v11 =	vadd.f32 v28, v50  }
0x95: {  	v53 =	vld [tilespmem:$0xAE0];
	v4 =	vadd.f32 v49, v4;
	v3 =	vadd.f32 v13, v3  }
0x96: {  	v56 =	vld [tilespmem:$0xB30];
	v5 =	vadd.f32 v48, v5;
	v11 =	vadd.f32 v29, v11  }
0x97: {  	v55 =	vld [tilespmem:$0xB20];
	v4 =	vadd.f32 v52, v4;
	v3 =	vadd.f32 v14, v3  }
0x98: {  	v58 =	vld [tilespmem:$0xB70];
	v5 =	vadd.f32 v51, v5;
	v11 =	vadd.f32 v30, v11  }
0x99: {  	v57 =	vld [tilespmem:$0xB60];
	v4 =	vadd.f32 v54, v4;
	v3 =	vadd.f32 v15, v3  }
0x9a: {  	v60 =	vld [tilespmem:$0xBB0];
	v5 =	vadd.f32 v53, v5;
	v11 =	vadd.f32 v31, v11  }
0x9b: {  	v59 =	vld [tilespmem:$0xBA0];
	v4 =	vadd.f32 v56, v4;
	v3 =	vadd.f32 v16, v3  }
0x9c: {  	v62 =	vld [tilespmem:$0xBF0];
	v5 =	vadd.f32 v55, v5;
	v11 =	vadd.f32 v32, v11  }
0x9d: {  	v61 =	vld [tilespmem:$0xBE0];
	v4 =	vadd.f32 v58, v4;
	v3 =	vadd.f32 v17, v3  }
0x9e: {  	v5 =	vadd.f32 v57, v5;
	v11 =	vadd.f32 v33, v11  }
0x9f: {  	v4 =	vadd.f32 v60, v4;
	v3 =	vadd.f32 v18, v3  }
0xa0: {  	v5 =	vadd.f32 v59, v5;
	v63 =	vadd.f32 v34, v11  }
0xa1: {  	v4 =	vadd.f32 v62, v4;
	[tilespmem:$0xC00] =	vst v3  }
0xa2: {  	s9 =	sadd.s32 $0x1, s9;
	v3 =	vadd.f32 v61, v5;
	[tilespmem:$0xC10] =	vst v63  }
0xa3: {  	p0 =	sne.s32 s9, s5;
	[tilespmem:$0xC30] =	vst v4  }
.Ltmp1:
0xa4: {  	[tilespmem:$0xC20] =	vst v3;
	(pc) =	sbr.rel @p0 .LBB2_1-.Ltmp1, $4  }
0xa5: {  	[hbm4b:s4+s2] =	stream.linear.scatter [tilespmem:s8], [sflag:$0x1], $0x80, $0x38;
	[tilespmem:$0xC80] =	vst v63  }
0xa6: {  	_ =	swait.ge [sflag:s6], $0x80  }
0xa7: {  	[sflag:s6] =	ssyncset.done $0x0  }
0xa8: {  	[sflag:s6] =	ssyncadd.s32 $0xFFFFFF80  }
0xa9: {  	_ =	sfence.sel $0x180000  }
0xaa: {  	[bflag:$0x0] =	sbarrier.arrive $0xFFFF  }
0xab: {  	p0 =	sne.s32 s1, $0x0;
	_ =	strace $0x90000047  }
0xac: {  	s0 =	sadd.s32 @!p0 $0x100000, s0;
	[bflag:$0x2] =	sbarrier.arrive $0xFFFF  }
0xad: {  	[sflag:s0] =	ssyncadd.tile.s32 @!p0 $0x1;
	_ =	shalt  }
.Lfunc_end2:
_tile_overlayer_lowered:
.L_overlay_start_2:
0xae: {  	(tag) =	ssettag $0x2  }
0xaf: {  	s0 =	rddreg [dreg:$0x0];
	s2 =	stileid.u32  }
0xb0: {  	s1 =	rddreg [dreg:$0x1];
	p0 =	sne.s32 s2, $0x0  }
0xb1: {  	s3 =	rddreg [dreg:$0x2];
	[bflag:$0x3] =	sbarrier.arrive $0xFFFF;
	s2 =	simm.s32 @!p0 $0x1C01  }
0xb2: {  	[timem:s3], [sflag:s2] =	dma.local @!p0 [hbm:s0], s1  }
0xb3: {  	s0 =	simm.s32 @!p0 $0x1  }
0xb4: {  	_ =	swait.ge @!p0 [sflag:s0], s1  }
0xb5: {  	s1 =	ssub.s32 @!p0 $0x0, s1;
	[sflag:s0] =	ssyncset.done @!p0 $0x0  }
0xb6: {  	[sflag:s0] =	ssyncadd.s32 @!p0 s1  }
0xb7: {  	[bflag:$0x3] =	sbarrier.arrive $0xFFFF  }
0xb8: {  	_ =	shalt  }

</sc_bundles>
